<compile_context>
chip_gen: v7x
topology: tpu7x:2x2x1
jax: 0.10.2.dev20260603
libtpu: 0.0.44.dev20260713+nightly
codegen_flags: <defaults>
</compile_context>

<pallas_src>
import functools

import jax
import jax.numpy as jnp
from jax import lax
from jax.experimental import pallas as pl
from jax.experimental.pallas import tpu as pltpu
from jax.experimental.pallas import tpu_sc as plsc

SEQ = 2048
D_MODEL = 768
D_FF = 1024
E = 64
T = 64
NT = SEQ // T + E
NSLOT = NT * T


_TLOG = T.bit_length() - 1
assert (1 << _TLOG) == T


def _gate_body(x_ref, w_ref, b_ref, slot_ref, te_ref, tv_ref):
    scores = jnp.dot(x_ref[...], w_ref[...],
                     preferred_element_type=jnp.float32) + b_ref[...]
    m = jnp.max(scores, axis=1, keepdims=True)
    ii = lax.broadcasted_iota(jnp.int32, (SEQ, E), 1)
    eidx = jnp.min(jnp.where(scores == m, ii, E), axis=1, keepdims=True)
    onehot = (ii == eidx).astype(jnp.bfloat16)
    CKN, CK = 8, SEQ // 8
    rr = lax.broadcasted_iota(jnp.int32, (CK, CK), 0)
    cc = lax.broadcasted_iota(jnp.int32, (CK, CK), 1)
    ltri = (cc <= rr).astype(jnp.bfloat16)
    parts = [jnp.dot(ltri, onehot[k * CK:(k + 1) * CK, :],
                     preferred_element_type=jnp.float32) for k in range(CKN)]
    off = jnp.zeros((1, E), jnp.float32)
    fixed = []
    for k in range(CKN):
        fixed.append(parts[k] + off)
        off = off + parts[k][CK - 1:CK, :]
    csum = jnp.concatenate(fixed, axis=0)
    counts = csum[SEQ - 1:SEQ, :].astype(jnp.int32)
    onef = onehot.astype(jnp.float32)
    rank = (jnp.sum(onef * csum, axis=1, keepdims=True)
            - 1.0).astype(jnp.int32)
    tpe = (counts + (T - 1)) >> _TLOG
    ur = lax.broadcasted_iota(jnp.int32, (E, E), 0)
    uc = lax.broadcasted_iota(jnp.int32, (E, E), 1)
    utri = (ur <= uc).astype(jnp.bfloat16)
    ctiles = jnp.dot(tpe.astype(jnp.bfloat16), utri,
                     preferred_element_type=jnp.float32).astype(jnp.int32)
    tile_base = ctiles - tpe
    base_tok = jnp.sum(onef * tile_base.astype(jnp.float32),
                       axis=1, keepdims=True).astype(jnp.int32)
    slot_ref[...] = (base_tok + (rank >> _TLOG)) * T + (rank & (T - 1))
    jj = lax.broadcasted_iota(jnp.int32, (NT, E), 0)
    te = jnp.sum(jnp.where(ctiles <= jj, 1, 0), axis=1, keepdims=True)
    te_ref[...] = jnp.minimum(te, E - 1)
    total = ctiles[:, E - 1:E]
    jv = lax.broadcasted_iota(jnp.int32, (NT, 1), 0)
    tv_ref[...] = jnp.where(jv < total, 1, 0)


def _gate(x_flat, gate_W, gate_b):
    slot2, te2, tv2 = pl.pallas_call(
        _gate_body,
        out_shape=(
            jax.ShapeDtypeStruct((SEQ, 1), jnp.int32),
            jax.ShapeDtypeStruct((NT, 1), jnp.int32),
            jax.ShapeDtypeStruct((NT, 1), jnp.int32),
        ),
    )(x_flat, gate_W, gate_b.reshape(1, E))
    return slot2.reshape(SEQ), te2.reshape(NT), tv2.reshape(NT)


_NC, _NS = 2, 16
_NW = _NC * _NS


def _make_scatter_rows(n_rows, n_out, d):
    per_w = n_rows // _NW
    mesh = plsc.VectorSubcoreMesh(core_axis_name="c", subcore_axis_name="s")

    @functools.partial(
        pl.kernel, mesh=mesh,
        out_type=jax.ShapeDtypeStruct((n_out, d), jnp.float32),
        scratch_types=[
            pltpu.VMEM((per_w,), jnp.int32),
            pltpu.VMEM((per_w, d), jnp.float32),
            pltpu.SemaphoreType.DMA,
        ],
    )
    def k(table_hbm, idx_hbm, out_hbm, idx_v, rows_v, sem):
        wid = lax.axis_index("s") * _NC + lax.axis_index("c")
        base = wid * per_w
        pltpu.sync_copy(idx_hbm.at[pl.ds(base, per_w)], idx_v)
        pltpu.sync_copy(table_hbm.at[pl.ds(base, per_w)], rows_v)
        pltpu.async_copy(rows_v, out_hbm.at[idx_v], sem).wait()

    return k


def _make_gather_rows(n_rows, n_tab, d):
    per_w = n_rows // _NW
    mesh = plsc.VectorSubcoreMesh(core_axis_name="c", subcore_axis_name="s")

    @functools.partial(
        pl.kernel, mesh=mesh,
        out_type=jax.ShapeDtypeStruct((n_rows, d), jnp.float32),
        scratch_types=[
            pltpu.VMEM((per_w,), jnp.int32),
            pltpu.VMEM((per_w, d), jnp.float32),
            pltpu.SemaphoreType.DMA,
        ],
    )
    def k(table_hbm, idx_hbm, out_hbm, idx_v, rows_v, sem):
        wid = lax.axis_index("s") * _NC + lax.axis_index("c")
        base = wid * per_w
        pltpu.sync_copy(idx_hbm.at[pl.ds(base, per_w)], idx_v)
        pltpu.async_copy(table_hbm.at[idx_v], rows_v, sem).wait()
        pltpu.sync_copy(rows_v, out_hbm.at[pl.ds(base, per_w)])

    return k


def _ffn_body(te_ref, tv_ref, x_ref, w1_ref, b1_ref, w2_ref, b2_ref, o_ref):
    j = pl.program_id(0)

    @pl.when(tv_ref[j] == 1)
    def _():
        xt = x_ref[...]
        h = jnp.maximum(
            jnp.dot(xt, w1_ref[0], preferred_element_type=jnp.float32)
            + b1_ref[0], 0.0)
        o_ref[...] = (jnp.dot(h, w2_ref[0], preferred_element_type=jnp.float32)
                      + b2_ref[0])


def _ffn(x_slots, W1, b1, W2, b2, tile_expert, tile_valid):
    grid_spec = pltpu.PrefetchScalarGridSpec(
        num_scalar_prefetch=2,
        grid=(NT,),
        in_specs=[
            pl.BlockSpec((T, D_MODEL), lambda j, te, tv: (j, 0)),
            pl.BlockSpec((1, D_MODEL, D_FF), lambda j, te, tv: (te[j], 0, 0)),
            pl.BlockSpec((1, 1, D_FF), lambda j, te, tv: (te[j], 0, 0)),
            pl.BlockSpec((1, D_FF, D_MODEL), lambda j, te, tv: (te[j], 0, 0)),
            pl.BlockSpec((1, 1, D_MODEL), lambda j, te, tv: (te[j], 0, 0)),
        ],
        out_specs=pl.BlockSpec((T, D_MODEL), lambda j, te, tv: (j, 0)),
    )
    return pl.pallas_call(
        _ffn_body,
        grid_spec=grid_spec,
        out_shape=jax.ShapeDtypeStruct((NSLOT, D_MODEL), jnp.float32),
    )(tile_expert, tile_valid, x_slots,
      W1, b1.reshape(E, 1, D_FF), W2, b2.reshape(E, 1, D_MODEL))


def kernel(x, gate_W, gate_b, W1, b1, W2, b2):
    seq, bsz, dim = x.shape
    x_flat = x.reshape(seq * bsz, dim)
    slot, tile_expert, tile_valid = _gate(x_flat, gate_W, gate_b)
    x_slots = _make_scatter_rows(SEQ, NSLOT, D_MODEL)(x_flat, slot)
    y_slots = _ffn(x_slots, W1, b1, W2, b2, tile_expert, tile_valid)
    out = _make_gather_rows(SEQ, NSLOT, D_MODEL)(y_slots, slot)
    return out.reshape(seq, bsz, dim)

# --- scband reference (transcript-rebuilt; emitter-appended) ---
"""Pipeline reference for scband-mo-elayer-62560493633925 (READ-ONLY COPY).

The authoritative reference and input builder live on the scoring server;
editing this copy changes nothing except your own understanding.
"""

import jax, jax.numpy as jnp
import numpy as np

SEQ = 2048
B = 1
D_MODEL = 768
D_FF = 1024
E = 64
TOPK = 1


def setup_inputs(seed: int = 0) -> dict:
    key = jax.random.key(seed)
    ks = jax.random.split(key, 8)
    s1 = 1.0 / np.sqrt(D_MODEL)
    s2 = 1.0 / np.sqrt(D_FF)
    x = jax.random.normal(ks[0], (SEQ, B, D_MODEL), dtype=jnp.float32)
    gate_W = jax.random.uniform(ks[1], (D_MODEL, E), dtype=jnp.float32, minval=-s1, maxval=s1)
    gate_b = jax.random.uniform(ks[2], (E,), dtype=jnp.float32, minval=-s1, maxval=s1)
    W1 = jax.random.uniform(ks[3], (E, D_MODEL, D_FF), dtype=jnp.float32, minval=-s1, maxval=s1)
    b1 = jax.random.uniform(ks[4], (E, D_FF), dtype=jnp.float32, minval=-s1, maxval=s1)
    W2 = jax.random.uniform(ks[5], (E, D_FF, D_MODEL), dtype=jnp.float32, minval=-s2, maxval=s2)
    b2 = jax.random.uniform(ks[6], (E, D_MODEL), dtype=jnp.float32, minval=-s2, maxval=s2)
    return {"x": x, "gate_W": gate_W, "gate_b": gate_b, "W1": W1, "b1": b1, "W2": W2, "b2": b2}


def reference(x, gate_W, gate_b, W1, b1, W2, b2):
    seq_len, batch_size, dim = x.shape
    x_flat = x.reshape(-1, dim)
    scores = x_flat @ gate_W + gate_b
    topk_vals, topk_idx = jax.lax.top_k(scores, TOPK)
    topk_probs = jax.nn.softmax(topk_vals, axis=-1)
    out = jnp.zeros_like(x_flat)
    for i in range(TOPK):
        for e in range(E):
            mask = topk_idx[:, i] == e
            h = jnp.maximum(x_flat @ W1[e] + b1[e], 0.0)
            ys = h @ W2[e] + b2[e]
            w = jnp.where(mask, topk_probs[:, i], 0.0)
            out = out + w[:, None] * ys
    return out.reshape(seq_len, batch_size, dim)

if __name__ == "__main__":
    import jax
    _d = setup_inputs()
    print(jax.jit(kernel)(*tuple(_d.values())))

</pallas_src>

<mosaic_0001>
#map = affine_map<(d0, d1) -> (0, 0)>
#map1 = affine_map<(d0, d1) -> (0)>
module attributes {stable_mosaic.version = 14 : i64} {
  func.func @k(%arg0: i32, %arg1: i32, %arg2: memref<2048x768xf32, #tpu.memory_space<hbm>>, %arg3: memref<2048xi32, #tpu.memory_space<hbm>>, %arg4: memref<6144x768xf32, #tpu.memory_space<hbm>>, %arg5: memref<64xi32, #tpu.memory_space<vmem>>, %arg6: memref<64x768xf32, #tpu.memory_space<vmem>>, %arg7: memref<!tpu.dma_semaphore, #tpu.memory_space<semaphore_mem>>) attributes {dimension_semantics = [#tpu.dimension_semantics<core_parallel>, #tpu.dimension_semantics<subcore_parallel>], iteration_bounds = array<i64: 2, 16>, scalar_prefetch = 0 : i64, scratch_operands = 3 : i64, tpu.core_type = #tpu.core_type<sc_vector_subcore>, window_params = [{transform_indices = #map}, {transform_indices = #map1}, {transform_indices = #map}]} {
    %mul3A = arith.constant 2 : i32
    %mul3A_0 = arith.muli %arg1, %mul3A : i32
    %add3A = arith.addi %mul3A_0, %arg0 : i32
    %mul3A_1 = arith.constant 64 : i32
    %mul3A_2 = arith.muli %add3A, %mul3A_1 : i32
    "tpu.region"() ({
      %run_scoped3A = tpu.sem_alloc : memref<!tpu.dma_semaphore, #tpu.memory_space<semaphore_mem>>
      %dma_start3A_7 = tpu.memref_slice %arg3[%mul3A_2] : memref<2048xi32, #tpu.memory_space<hbm>> -> memref<64xi32, #tpu.memory_space<hbm>>
      %dma_start3A_8 = tpu.memref_slice %arg3[%mul3A_2] : memref<2048xi32, #tpu.memory_space<hbm>> -> memref<64xi32, #tpu.memory_space<hbm>>
      tpu.enqueue_dma source(%dma_start3A_8 : memref<64xi32, #tpu.memory_space<hbm>>) target(%arg5 : memref<64xi32, #tpu.memory_space<vmem>>) target_semaphore(%run_scoped3A : memref<!tpu.dma_semaphore, #tpu.memory_space<semaphore_mem>>)
      %dma_wait3A_9 = tpu.memref_slice %arg3[%mul3A_2] : memref<2048xi32, #tpu.memory_space<hbm>> -> memref<64xi32, #tpu.memory_space<hbm>>
      %dma_wait3A_10 = tpu.memref_slice %arg3[%mul3A_2] : memref<2048xi32, #tpu.memory_space<hbm>> -> memref<64xi32, #tpu.memory_space<hbm>>
      tpu.wait_dma2 semaphore(%run_scoped3A : memref<!tpu.dma_semaphore, #tpu.memory_space<semaphore_mem>>) src(%dma_wait3A_10 : memref<64xi32, #tpu.memory_space<hbm>>) dst(%arg5 : memref<64xi32, #tpu.memory_space<vmem>>)
      tpu.yield
    }) : () -> ()
    "tpu.region"() ({
      %run_scoped3A = tpu.sem_alloc : memref<!tpu.dma_semaphore, #tpu.memory_space<semaphore_mem>>
      %dma_start3A_7 = arith.constant 0 : i32
      %dma_start3A_8 = tpu.memref_slice %arg2[%mul3A_2, %dma_start3A_7] : memref<2048x768xf32, #tpu.memory_space<hbm>> -> memref<64x768xf32, #tpu.memory_space<hbm>>
      %dma_start3A_9 = arith.constant 0 : i32
      %dma_start3A_10 = tpu.memref_slice %arg2[%mul3A_2, %dma_start3A_9] : memref<2048x768xf32, #tpu.memory_space<hbm>> -> memref<64x768xf32, #tpu.memory_space<hbm>>
      tpu.enqueue_dma source(%dma_start3A_10 : memref<64x768xf32, #tpu.memory_space<hbm>>) target(%arg6 : memref<64x768xf32, #tpu.memory_space<vmem>>) target_semaphore(%run_scoped3A : memref<!tpu.dma_semaphore, #tpu.memory_space<semaphore_mem>>)
      %dma_wait3A_11 = arith.constant 0 : i32
      %dma_wait3A_12 = tpu.memref_slice %arg2[%mul3A_2, %dma_wait3A_11] : memref<2048x768xf32, #tpu.memory_space<hbm>> -> memref<64x768xf32, #tpu.memory_space<hbm>>
      %dma_wait3A_13 = arith.constant 0 : i32
      %dma_wait3A_14 = tpu.memref_slice %arg2[%mul3A_2, %dma_wait3A_13] : memref<2048x768xf32, #tpu.memory_space<hbm>> -> memref<64x768xf32, #tpu.memory_space<hbm>>
      tpu.wait_dma2 semaphore(%run_scoped3A : memref<!tpu.dma_semaphore, #tpu.memory_space<semaphore_mem>>) src(%dma_wait3A_14 : memref<64x768xf32, #tpu.memory_space<hbm>>) dst(%arg6 : memref<64x768xf32, #tpu.memory_space<vmem>>)
      tpu.yield
    }) : () -> ()
    %dma_start3A = arith.constant 0 : i32
    %dma_start3A_3 = arith.constant 0 : i32
    %dma_start3A_4 = tpu.memref_slice %arg4[%dma_start3A, %dma_start3A_3] : memref<6144x768xf32, #tpu.memory_space<hbm>> -> memref<6144x768xf32, #tpu.memory_space<hbm>>
    tpu.enqueue_indirect_dma source(%arg6 : memref<64x768xf32, #tpu.memory_space<vmem>>) target(%dma_start3A_4 : memref<6144x768xf32, #tpu.memory_space<hbm>>) offsets(%arg5 : memref<64xi32, #tpu.memory_space<vmem>>) semaphore(%arg7 : memref<!tpu.dma_semaphore, #tpu.memory_space<semaphore_mem>>)
    %dma_wait3A = arith.constant 0 : i32
    %dma_wait3A_5 = arith.constant 0 : i32
    %dma_wait3A_6 = tpu.memref_slice %arg4[%dma_wait3A, %dma_wait3A_5] : memref<6144x768xf32, #tpu.memory_space<hbm>> -> memref<6144x768xf32, #tpu.memory_space<hbm>>
    tpu.wait_indirect_dma semaphore(%arg7 : memref<!tpu.dma_semaphore, #tpu.memory_space<semaphore_mem>>) src(%arg6 : memref<64x768xf32, #tpu.memory_space<vmem>>) dst(%dma_wait3A_6 : memref<6144x768xf32, #tpu.memory_space<hbm>>)
    return
  }
}

#map = affine_map<(d0, d1) -> (0, 0)>
#map1 = affine_map<(d0, d1) -> (0)>
module attributes {stable_mosaic.version = 14 : i64} {
  func.func @k(%arg0: i32, %arg1: i32, %arg2: memref<6144x768xf32, #tpu.memory_space<hbm>>, %arg3: memref<2048xi32, #tpu.memory_space<hbm>>, %arg4: memref<2048x768xf32, #tpu.memory_space<hbm>>, %arg5: memref<64xi32, #tpu.memory_space<vmem>>, %arg6: memref<64x768xf32, #tpu.memory_space<vmem>>, %arg7: memref<!tpu.dma_semaphore, #tpu.memory_space<semaphore_mem>>) attributes {dimension_semantics = [#tpu.dimension_semantics<core_parallel>, #tpu.dimension_semantics<subcore_parallel>], iteration_bounds = array<i64: 2, 16>, scalar_prefetch = 0 : i64, scratch_operands = 3 : i64, tpu.core_type = #tpu.core_type<sc_vector_subcore>, window_params = [{transform_indices = #map}, {transform_indices = #map1}, {transform_indices = #map}]} {
    %mul3A = arith.constant 2 : i32
    %mul3A_0 = arith.muli %arg1, %mul3A : i32
    %add3A = arith.addi %mul3A_0, %arg0 : i32
    %mul3A_1 = arith.constant 64 : i32
    %mul3A_2 = arith.muli %add3A, %mul3A_1 : i32
    "tpu.region"() ({
      %run_scoped3A = tpu.sem_alloc : memref<!tpu.dma_semaphore, #tpu.memory_space<semaphore_mem>>
      %dma_start3A_7 = tpu.memref_slice %arg3[%mul3A_2] : memref<2048xi32, #tpu.memory_space<hbm>> -> memref<64xi32, #tpu.memory_space<hbm>>
      %dma_start3A_8 = tpu.memref_slice %arg3[%mul3A_2] : memref<2048xi32, #tpu.memory_space<hbm>> -> memref<64xi32, #tpu.memory_space<hbm>>
      tpu.enqueue_dma source(%dma_start3A_8 : memref<64xi32, #tpu.memory_space<hbm>>) target(%arg5 : memref<64xi32, #tpu.memory_space<vmem>>) target_semaphore(%run_scoped3A : memref<!tpu.dma_semaphore, #tpu.memory_space<semaphore_mem>>)
      %dma_wait3A_9 = tpu.memref_slice %arg3[%mul3A_2] : memref<2048xi32, #tpu.memory_space<hbm>> -> memref<64xi32, #tpu.memory_space<hbm>>
      %dma_wait3A_10 = tpu.memref_slice %arg3[%mul3A_2] : memref<2048xi32, #tpu.memory_space<hbm>> -> memref<64xi32, #tpu.memory_space<hbm>>
      tpu.wait_dma2 semaphore(%run_scoped3A : memref<!tpu.dma_semaphore, #tpu.memory_space<semaphore_mem>>) src(%dma_wait3A_10 : memref<64xi32, #tpu.memory_space<hbm>>) dst(%arg5 : memref<64xi32, #tpu.memory_space<vmem>>)
      tpu.yield
    }) : () -> ()
    %dma_start3A = arith.constant 0 : i32
    %dma_start3A_3 = arith.constant 0 : i32
    %dma_start3A_4 = tpu.memref_slice %arg2[%dma_start3A, %dma_start3A_3] : memref<6144x768xf32, #tpu.memory_space<hbm>> -> memref<6144x768xf32, #tpu.memory_space<hbm>>
    tpu.enqueue_indirect_dma source(%dma_start3A_4 : memref<6144x768xf32, #tpu.memory_space<hbm>>) target(%arg6 : memref<64x768xf32, #tpu.memory_space<vmem>>) offsets(%arg5 : memref<64xi32, #tpu.memory_space<vmem>>) semaphore(%arg7 : memref<!tpu.dma_semaphore, #tpu.memory_space<semaphore_mem>>)
    %dma_wait3A = arith.constant 0 : i32
    %dma_wait3A_5 = arith.constant 0 : i32
    %dma_wait3A_6 = tpu.memref_slice %arg2[%dma_wait3A, %dma_wait3A_5] : memref<6144x768xf32, #tpu.memory_space<hbm>> -> memref<6144x768xf32, #tpu.memory_space<hbm>>
    tpu.wait_indirect_dma semaphore(%arg7 : memref<!tpu.dma_semaphore, #tpu.memory_space<semaphore_mem>>) src(%dma_wait3A_6 : memref<6144x768xf32, #tpu.memory_space<hbm>>) dst(%arg6 : memref<64x768xf32, #tpu.memory_space<vmem>>)
    "tpu.region"() ({
      %run_scoped3A = tpu.sem_alloc : memref<!tpu.dma_semaphore, #tpu.memory_space<semaphore_mem>>
      %dma_start3A_7 = arith.constant 0 : i32
      %dma_start3A_8 = tpu.memref_slice %arg4[%mul3A_2, %dma_start3A_7] : memref<2048x768xf32, #tpu.memory_space<hbm>> -> memref<64x768xf32, #tpu.memory_space<hbm>>
      %dma_start3A_9 = arith.constant 0 : i32
      %dma_start3A_10 = tpu.memref_slice %arg4[%mul3A_2, %dma_start3A_9] : memref<2048x768xf32, #tpu.memory_space<hbm>> -> memref<64x768xf32, #tpu.memory_space<hbm>>
      tpu.enqueue_dma source(%arg6 : memref<64x768xf32, #tpu.memory_space<vmem>>) target(%dma_start3A_10 : memref<64x768xf32, #tpu.memory_space<hbm>>) target_semaphore(%run_scoped3A : memref<!tpu.dma_semaphore, #tpu.memory_space<semaphore_mem>>)
      %dma_wait3A_11 = arith.constant 0 : i32
      %dma_wait3A_12 = tpu.memref_slice %arg4[%mul3A_2, %dma_wait3A_11] : memref<2048x768xf32, #tpu.memory_space<hbm>> -> memref<64x768xf32, #tpu.memory_space<hbm>>
      %dma_wait3A_13 = arith.constant 0 : i32
      %dma_wait3A_14 = tpu.memref_slice %arg4[%mul3A_2, %dma_wait3A_13] : memref<2048x768xf32, #tpu.memory_space<hbm>> -> memref<64x768xf32, #tpu.memory_space<hbm>>
      tpu.wait_dma2 semaphore(%run_scoped3A : memref<!tpu.dma_semaphore, #tpu.memory_space<semaphore_mem>>) src(%arg6 : memref<64x768xf32, #tpu.memory_space<vmem>>) dst(%dma_wait3A_14 : memref<64x768xf32, #tpu.memory_space<hbm>>)
      tpu.yield
    }) : () -> ()
    return
  }
}

module attributes {stable_mosaic.version = 14 : i64} {
  func.func @_gate_body(%arg0: memref<2048x768xf32, #tpu.memory_space<vmem>>, %arg1: memref<768x64xf32, #tpu.memory_space<vmem>>, %arg2: memref<1x64xf32, #tpu.memory_space<vmem>>, %arg3: memref<2048x1xi32, #tpu.memory_space<vmem>>, %arg4: memref<96x1xi32, #tpu.memory_space<vmem>>, %arg5: memref<96x1xi32, #tpu.memory_space<vmem>>) attributes {dimension_semantics = [], scalar_prefetch = 0 : i64, scratch_operands = 0 : i64, tpu.core_type = #tpu.core_type<tc>} {
    %get3A = arith.constant 0 : index
    %get3A_0 = arith.constant 0 : index
    %get3A_1 = vector.load %arg0[%get3A, %get3A_0] : memref<2048x768xf32, #tpu.memory_space<vmem>>, vector<2048x768xf32>
    %get3A_2 = arith.constant 0 : index
    %get3A_3 = arith.constant 0 : index
    %get3A_4 = vector.load %arg1[%get3A_2, %get3A_3] : memref<768x64xf32, #tpu.memory_space<vmem>>, vector<768x64xf32>
    %dot_general3A = arith.constant dense<0.000000e+00> : vector<2048x64xf32>
    %dot_general3A_5 = tpu.matmul %get3A_1, %get3A_4, %dot_general3A {dimension_numbers = #tpu.dot_dimension_numbers<[1], [0], [0], [1], [0, 0, 1, 1], [], []>, transpose_lhs_hint = false} : vector<2048x768xf32>, vector<768x64xf32>, vector<2048x64xf32> -> vector<2048x64xf32>
    %get3A_6 = arith.constant 0 : index
    %get3A_7 = arith.constant 0 : index
    %get3A_8 = vector.load %arg2[%get3A_6, %get3A_7] : memref<1x64xf32, #tpu.memory_space<vmem>>, vector<1x64xf32>
    %add3A = vector.broadcast %get3A_8 : vector<1x64xf32> to vector<2048x64xf32>
    %add3A_9 = arith.addf %dot_general3A_5, %add3A : vector<2048x64xf32>
    %reduce_max3A = arith.constant dense<0xFF800000> : vector<2048xf32>
    %reduce_max3A_10 = vector.multi_reduction <maximumf>, %add3A_9, %reduce_max3A [1] : vector<2048x64xf32> to vector<2048xf32>
    %broadcast_in_dim3A = vector.shape_cast %reduce_max3A_10 : vector<2048xf32> to vector<2048x1xf32>
    %iota3A = tpu.iota {dimensions = array<i32: 1>} : vector<2048x64xi32>
    %eq3A = vector.broadcast %broadcast_in_dim3A : vector<2048x1xf32> to vector<2048x64xf32>
    %eq3A_11 = arith.cmpf oeq, %add3A_9, %eq3A : vector<2048x64xf32>
    %jit3A = arith.constant 64 : i32
    %broadcast_in_dim3A_12 = vector.broadcast %jit3A : i32 to vector<2048x64xi32>
    %select_n3A = arith.select %eq3A_11, %iota3A, %broadcast_in_dim3A_12 : vector<2048x64xi1>, vector<2048x64xi32>
    %reduce_min3A = arith.constant dense<2147483647> : vector<2048xi32>
    %reduce_min3A_13 = vector.multi_reduction <minsi>, %select_n3A, %reduce_min3A [1] : vector<2048x64xi32> to vector<2048xi32>
    %broadcast_in_dim3A_14 = vector.shape_cast %reduce_min3A_13 : vector<2048xi32> to vector<2048x1xi32>
    %eq3A_15 = vector.broadcast %broadcast_in_dim3A_14 : vector<2048x1xi32> to vector<2048x64xi32>
    %eq3A_16 = arith.cmpi eq, %iota3A, %eq3A_15 : vector<2048x64xi32>
    %convert_element_type3A = arith.extui %eq3A_16 : vector<2048x64xi1> to vector<2048x64xi32>
    %convert_element_type3A_17 = arith.sitofp %convert_element_type3A : vector<2048x64xi32> to vector<2048x64xf32>
    %convert_element_type3A_18 = arith.truncf %convert_element_type3A_17 : vector<2048x64xf32> to vector<2048x64xbf16>
    %iota3A_19 = tpu.iota {dimensions = array<i32: 0>} : vector<256x256xi32>
    %iota3A_20 = tpu.iota {dimensions = array<i32: 1>} : vector<256x256xi32>
    %le3A = arith.cmpi sle, %iota3A_20, %iota3A_19 : vector<256x256xi32>
    %convert_element_type3A_21 = arith.extui %le3A : vector<256x256xi1> to vector<256x256xi32>
    %convert_element_type3A_22 = arith.sitofp %convert_element_type3A_21 : vector<256x256xi32> to vector<256x256xf32>
    %convert_element_type3A_23 = arith.truncf %convert_element_type3A_22 : vector<256x256xf32> to vector<256x256xbf16>
    %slice3A = vector.extract_strided_slice %convert_element_type3A_18 {offsets = [0, 0], sizes = [256, 64], strides = [1, 1]} : vector<2048x64xbf16> to vector<256x64xbf16>
    %dot_general3A_24 = arith.constant dense<0.000000e+00> : vector<256x64xf32>
    %dot_general3A_25 = tpu.matmul %convert_element_type3A_23, %slice3A, %dot_general3A_24 {dimension_numbers = #tpu.dot_dimension_numbers<[1], [0], [0], [1], [0, 0, 1, 1], [], []>, transpose_lhs_hint = false} : vector<256x256xbf16>, vector<256x64xbf16>, vector<256x64xf32> -> vector<256x64xf32>
    %slice3A_26 = vector.extract_strided_slice %convert_element_type3A_18 {offsets = [256, 0], sizes = [256, 64], strides = [1, 1]} : vector<2048x64xbf16> to vector<256x64xbf16>
    %dot_general3A_27 = arith.constant dense<0.000000e+00> : vector<256x64xf32>
    %dot_general3A_28 = tpu.matmul %convert_element_type3A_23, %slice3A_26, %dot_general3A_27 {dimension_numbers = #tpu.dot_dimension_numbers<[1], [0], [0], [1], [0, 0, 1, 1], [], []>, transpose_lhs_hint = false} : vector<256x256xbf16>, vector<256x64xbf16>, vector<256x64xf32> -> vector<256x64xf32>
    %slice3A_29 = vector.extract_strided_slice %convert_element_type3A_18 {offsets = [512, 0], sizes = [256, 64], strides = [1, 1]} : vector<2048x64xbf16> to vector<256x64xbf16>
    %dot_general3A_30 = arith.constant dense<0.000000e+00> : vector<256x64xf32>
    %dot_general3A_31 = tpu.matmul %convert_element_type3A_23, %slice3A_29, %dot_general3A_30 {dimension_numbers = #tpu.dot_dimension_numbers<[1], [0], [0], [1], [0, 0, 1, 1], [], []>, transpose_lhs_hint = false} : vector<256x256xbf16>, vector<256x64xbf16>, vector<256x64xf32> -> vector<256x64xf32>
    %slice3A_32 = vector.extract_strided_slice %convert_element_type3A_18 {offsets = [768, 0], sizes = [256, 64], strides = [1, 1]} : vector<2048x64xbf16> to vector<256x64xbf16>
    %dot_general3A_33 = arith.constant dense<0.000000e+00> : vector<256x64xf32>
    %dot_general3A_34 = tpu.matmul %convert_element_type3A_23, %slice3A_32, %dot_general3A_33 {dimension_numbers = #tpu.dot_dimension_numbers<[1], [0], [0], [1], [0, 0, 1, 1], [], []>, transpose_lhs_hint = false} : vector<256x256xbf16>, vector<256x64xbf16>, vector<256x64xf32> -> vector<256x64xf32>
    %slice3A_35 = vector.extract_strided_slice %convert_element_type3A_18 {offsets = [1024, 0], sizes = [256, 64], strides = [1, 1]} : vector<2048x64xbf16> to vector<256x64xbf16>
    %dot_general3A_36 = arith.constant dense<0.000000e+00> : vector<256x64xf32>
    %dot_general3A_37 = tpu.matmul %convert_element_type3A_23, %slice3A_35, %dot_general3A_36 {dimension_numbers = #tpu.dot_dimension_numbers<[1], [0], [0], [1], [0, 0, 1, 1], [], []>, transpose_lhs_hint = false} : vector<256x256xbf16>, vector<256x64xbf16>, vector<256x64xf32> -> vector<256x64xf32>
    %slice3A_38 = vector.extract_strided_slice %convert_element_type3A_18 {offsets = [1280, 0], sizes = [256, 64], strides = [1, 1]} : vector<2048x64xbf16> to vector<256x64xbf16>
    %dot_general3A_39 = arith.constant dense<0.000000e+00> : vector<256x64xf32>
    %dot_general3A_40 = tpu.matmul %convert_element_type3A_23, %slice3A_38, %dot_general3A_39 {dimension_numbers = #tpu.dot_dimension_numbers<[1], [0], [0], [1], [0, 0, 1, 1], [], []>, transpose_lhs_hint = false} : vector<256x256xbf16>, vector<256x64xbf16>, vector<256x64xf32> -> vector<256x64xf32>
    %slice3A_41 = vector.extract_strided_slice %convert_element_type3A_18 {offsets = [1536, 0], sizes = [256, 64], strides = [1, 1]} : vector<2048x64xbf16> to vector<256x64xbf16>
    %dot_general3A_42 = arith.constant dense<0.000000e+00> : vector<256x64xf32>
    %dot_general3A_43 = tpu.matmul %convert_element_type3A_23, %slice3A_41, %dot_general3A_42 {dimension_numbers = #tpu.dot_dimension_numbers<[1], [0], [0], [1], [0, 0, 1, 1], [], []>, transpose_lhs_hint = false} : vector<256x256xbf16>, vector<256x64xbf16>, vector<256x64xf32> -> vector<256x64xf32>
    %slice3A_44 = vector.extract_strided_slice %convert_element_type3A_18 {offsets = [1792, 0], sizes = [256, 64], strides = [1, 1]} : vector<2048x64xbf16> to vector<256x64xbf16>
    %dot_general3A_45 = arith.constant dense<0.000000e+00> : vector<256x64xf32>
    %dot_general3A_46 = tpu.matmul %convert_element_type3A_23, %slice3A_44, %dot_general3A_45 {dimension_numbers = #tpu.dot_dimension_numbers<[1], [0], [0], [1], [0, 0, 1, 1], [], []>, transpose_lhs_hint = false} : vector<256x256xbf16>, vector<256x64xbf16>, vector<256x64xf32> -> vector<256x64xf32>
    %broadcast_in_dim3A_47 = arith.constant 0.000000e+00 : f32
    %broadcast_in_dim3A_48 = vector.broadcast %broadcast_in_dim3A_47 : f32 to vector<1x64xf32>
    %add3A_49 = vector.broadcast %broadcast_in_dim3A_48 : vector<1x64xf32> to vector<256x64xf32>
    %add3A_50 = arith.addf %dot_general3A_25, %add3A_49 : vector<256x64xf32>
    %slice3A_51 = vector.extract_strided_slice %dot_general3A_25 {offsets = [255, 0], sizes = [1, 64], strides = [1, 1]} : vector<256x64xf32> to vector<1x64xf32>
    %add3A_52 = arith.addf %broadcast_in_dim3A_48, %slice3A_51 : vector<1x64xf32>
    %add3A_53 = vector.broadcast %add3A_52 : vector<1x64xf32> to vector<256x64xf32>
    %add3A_54 = arith.addf %dot_general3A_28, %add3A_53 : vector<256x64xf32>
    %slice3A_55 = vector.extract_strided_slice %dot_general3A_28 {offsets = [255, 0], sizes = [1, 64], strides = [1, 1]} : vector<256x64xf32> to vector<1x64xf32>
    %add3A_56 = arith.addf %add3A_52, %slice3A_55 : vector<1x64xf32>
    %add3A_57 = vector.broadcast %add3A_56 : vector<1x64xf32> to vector<256x64xf32>
    %add3A_58 = arith.addf %dot_general3A_31, %add3A_57 : vector<256x64xf32>
    %slice3A_59 = vector.extract_strided_slice %dot_general3A_31 {offsets = [255, 0], sizes = [1, 64], strides = [1, 1]} : vector<256x64xf32> to vector<1x64xf32>
    %add3A_60 = arith.addf %add3A_56, %slice3A_59 : vector<1x64xf32>
    %add3A_61 = vector.broadcast %add3A_60 : vector<1x64xf32> to vector<256x64xf32>
    %add3A_62 = arith.addf %dot_general3A_34, %add3A_61 : vector<256x64xf32>
    %slice3A_63 = vector.extract_strided_slice %dot_general3A_34 {offsets = [255, 0], sizes = [1, 64], strides = [1, 1]} : vector<256x64xf32> to vector<1x64xf32>
    %add3A_64 = arith.addf %add3A_60, %slice3A_63 : vector<1x64xf32>
    %add3A_65 = vector.broadcast %add3A_64 : vector<1x64xf32> to vector<256x64xf32>
    %add3A_66 = arith.addf %dot_general3A_37, %add3A_65 : vector<256x64xf32>
    %slice3A_67 = vector.extract_strided_slice %dot_general3A_37 {offsets = [255, 0], sizes = [1, 64], strides = [1, 1]} : vector<256x64xf32> to vector<1x64xf32>
    %add3A_68 = arith.addf %add3A_64, %slice3A_67 : vector<1x64xf32>
    %add3A_69 = vector.broadcast %add3A_68 : vector<1x64xf32> to vector<256x64xf32>
    %add3A_70 = arith.addf %dot_general3A_40, %add3A_69 : vector<256x64xf32>
    %slice3A_71 = vector.extract_strided_slice %dot_general3A_40 {offsets = [255, 0], sizes = [1, 64], strides = [1, 1]} : vector<256x64xf32> to vector<1x64xf32>
    %add3A_72 = arith.addf %add3A_68, %slice3A_71 : vector<1x64xf32>
    %add3A_73 = vector.broadcast %add3A_72 : vector<1x64xf32> to vector<256x64xf32>
    %add3A_74 = arith.addf %dot_general3A_43, %add3A_73 : vector<256x64xf32>
    %slice3A_75 = vector.extract_strided_slice %dot_general3A_43 {offsets = [255, 0], sizes = [1, 64], strides = [1, 1]} : vector<256x64xf32> to vector<1x64xf32>
    %add3A_76 = arith.addf %add3A_72, %slice3A_75 : vector<1x64xf32>
    %add3A_77 = vector.broadcast %add3A_76 : vector<1x64xf32> to vector<256x64xf32>
    %add3A_78 = arith.addf %dot_general3A_46, %add3A_77 : vector<256x64xf32>
    %concatenate3A = tpu.concatenate %add3A_50, %add3A_54, %add3A_58, %add3A_62, %add3A_66, %add3A_70, %add3A_74, %add3A_78 in 0 : vector<256x64xf32>, vector<256x64xf32>, vector<256x64xf32>, vector<256x64xf32>, vector<256x64xf32>, vector<256x64xf32>, vector<256x64xf32>, vector<256x64xf32> -> vector<2048x64xf32>
    %slice3A_79 = vector.extract_strided_slice %concatenate3A {offsets = [2047, 0], sizes = [1, 64], strides = [1, 1]} : vector<2048x64xf32> to vector<1x64xf32>
    %convert_element_type3A_80 = arith.fptosi %slice3A_79 : vector<1x64xf32> to vector<1x64xi32>
    %convert_element_type3A_81 = arith.extf %convert_element_type3A_18 : vector<2048x64xbf16> to vector<2048x64xf32>
    %mul3A = arith.mulf %convert_element_type3A_81, %concatenate3A : vector<2048x64xf32>
    %reduce_sum3A = arith.constant dense<0.000000e+00> : vector<2048xf32>
    %reduce_sum3A_82 = vector.multi_reduction <add>, %mul3A, %reduce_sum3A [1] : vector<2048x64xf32> to vector<2048xf32>
    %broadcast_in_dim3A_83 = vector.shape_cast %reduce_sum3A_82 : vector<2048xf32> to vector<2048x1xf32>
    %sub3A = arith.constant 1.000000e+00 : f32
    %sub3A_84 = vector.broadcast %sub3A : f32 to vector<2048x1xf32>
    %sub3A_85 = arith.subf %broadcast_in_dim3A_83, %sub3A_84 : vector<2048x1xf32>
    %convert_element_type3A_86 = arith.fptosi %sub3A_85 : vector<2048x1xf32> to vector<2048x1xi32>
    %add3A_87 = arith.constant 63 : i32
    %add3A_88 = vector.broadcast %add3A_87 : i32 to vector<1x64xi32>
    %add3A_89 = arith.addi %convert_element_type3A_80, %add3A_88 : vector<1x64xi32>
    %shift_right_arithmetic3A = arith.constant 6 : i32
    %shift_right_arithmetic3A_90 = vector.broadcast %shift_right_arithmetic3A : i32 to vector<1x64xi32>
    %shift_right_arithmetic3A_91 = arith.shrsi %add3A_89, %shift_right_arithmetic3A_90 : vector<1x64xi32>
    %iota3A_92 = tpu.iota {dimensions = array<i32: 0>} : vector<64x64xi32>
    %iota3A_93 = tpu.iota {dimensions = array<i32: 1>} : vector<64x64xi32>
    %le3A_94 = arith.cmpi sle, %iota3A_92, %iota3A_93 : vector<64x64xi32>
    %convert_element_type3A_95 = arith.extui %le3A_94 : vector<64x64xi1> to vector<64x64xi32>
    %convert_element_type3A_96 = arith.sitofp %convert_element_type3A_95 : vector<64x64xi32> to vector<64x64xf32>
    %convert_element_type3A_97 = arith.truncf %convert_element_type3A_96 : vector<64x64xf32> to vector<64x64xbf16>
    %convert_element_type3A_98 = arith.sitofp %shift_right_arithmetic3A_91 : vector<1x64xi32> to vector<1x64xbf16>
    %dot_general3A_99 = arith.constant dense<0.000000e+00> : vector<1x64xf32>
    %dot_general3A_100 = tpu.matmul %convert_element_type3A_98, %convert_element_type3A_97, %dot_general3A_99 {dimension_numbers = #tpu.dot_dimension_numbers<[1], [0], [0], [1], [0, 0, 1, 1], [], []>, transpose_lhs_hint = false} : vector<1x64xbf16>, vector<64x64xbf16>, vector<1x64xf32> -> vector<1x64xf32>
    %convert_element_type3A_101 = arith.fptosi %dot_general3A_100 : vector<1x64xf32> to vector<1x64xi32>
    %sub3A_102 = arith.subi %convert_element_type3A_101, %shift_right_arithmetic3A_91 : vector<1x64xi32>
    %convert_element_type3A_103 = arith.sitofp %sub3A_102 : vector<1x64xi32> to vector<1x64xf32>
    %mul3A_104 = vector.broadcast %convert_element_type3A_103 : vector<1x64xf32> to vector<2048x64xf32>
    %mul3A_105 = arith.mulf %convert_element_type3A_81, %mul3A_104 : vector<2048x64xf32>
    %reduce_sum3A_106 = arith.constant dense<0.000000e+00> : vector<2048xf32>
    %reduce_sum3A_107 = vector.multi_reduction <add>, %mul3A_105, %reduce_sum3A_106 [1] : vector<2048x64xf32> to vector<2048xf32>
    %broadcast_in_dim3A_108 = vector.shape_cast %reduce_sum3A_107 : vector<2048xf32> to vector<2048x1xf32>
    %convert_element_type3A_109 = arith.fptosi %broadcast_in_dim3A_108 : vector<2048x1xf32> to vector<2048x1xi32>
    %shift_right_arithmetic3A_110 = arith.constant 6 : i32
    %shift_right_arithmetic3A_111 = vector.broadcast %shift_right_arithmetic3A_110 : i32 to vector<2048x1xi32>
    %shift_right_arithmetic3A_112 = arith.shrsi %convert_element_type3A_86, %shift_right_arithmetic3A_111 : vector<2048x1xi32>
    %add3A_113 = arith.addi %convert_element_type3A_109, %shift_right_arithmetic3A_112 : vector<2048x1xi32>
    %mul3A_114 = arith.constant 64 : i32
    %mul3A_115 = vector.broadcast %mul3A_114 : i32 to vector<2048x1xi32>
    %mul3A_116 = arith.muli %add3A_113, %mul3A_115 : vector<2048x1xi32>
    %and3A = arith.constant 63 : i32
    %and3A_117 = vector.broadcast %and3A : i32 to vector<2048x1xi32>
    %and3A_118 = arith.andi %convert_element_type3A_86, %and3A_117 : vector<2048x1xi32>
    %add3A_119 = arith.addi %mul3A_116, %and3A_118 : vector<2048x1xi32>
    %swap3A = arith.constant 0 : index
    %swap3A_120 = arith.constant 0 : index
    %swap3A_121 = vector.load %arg3[%swap3A, %swap3A_120] : memref<2048x1xi32, #tpu.memory_space<vmem>>, vector<2048x1xi32>
    tpu.vector_store %arg3[%swap3A, %swap3A_120], %add3A_119 {strides = array<i32>} : memref<2048x1xi32, #tpu.memory_space<vmem>>, vector<2048x1xi32>,
    %iota3A_122 = tpu.iota {dimensions = array<i32: 0>} : vector<96x64xi32>
    %le3A_123 = vector.broadcast %convert_element_type3A_101 : vector<1x64xi32> to vector<96x64xi32>
    %le3A_124 = arith.cmpi sle, %le3A_123, %iota3A_122 : vector<96x64xi32>
    %jit3A_125 = arith.constant 1 : i32
    %jit3A_126 = arith.constant 0 : i32
    %broadcast_in_dim3A_127 = vector.broadcast %jit3A_125 : i32 to vector<96x64xi32>
    %broadcast_in_dim3A_128 = vector.broadcast %jit3A_126 : i32 to vector<96x64xi32>
    %select_n3A_129 = arith.select %le3A_124, %broadcast_in_dim3A_127, %broadcast_in_dim3A_128 : vector<96x64xi1>, vector<96x64xi32>
    %reduce_sum3A_130 = arith.constant dense<0> : vector<96xi32>
    %reduce_sum3A_131 = vector.multi_reduction <add>, %select_n3A_129, %reduce_sum3A_130 [1] : vector<96x64xi32> to vector<96xi32>
    %broadcast_in_dim3A_132 = vector.shape_cast %reduce_sum3A_131 : vector<96xi32> to vector<96x1xi32>
    %min3A = arith.constant 63 : i32
    %min3A_133 = vector.broadcast %min3A : i32 to vector<96x1xi32>
    %min3A_134 = arith.minsi %broadcast_in_dim3A_132, %min3A_133 : vector<96x1xi32>
    %swap3A_135 = arith.constant 0 : index
    %swap3A_136 = arith.constant 0 : index
    %swap3A_137 = vector.load %arg4[%swap3A_135, %swap3A_136] : memref<96x1xi32, #tpu.memory_space<vmem>>, vector<96x1xi32>
    tpu.vector_store %arg4[%swap3A_135, %swap3A_136], %min3A_134 {strides = array<i32>} : memref<96x1xi32, #tpu.memory_space<vmem>>, vector<96x1xi32>,
    %slice3A_138 = vector.extract_strided_slice %convert_element_type3A_101 {offsets = [0, 63], sizes = [1, 1], strides = [1, 1]} : vector<1x64xi32> to vector<1x1xi32>
    %iota3A_139 = tpu.iota {dimensions = array<i32: 0>} : vector<96x1xi32>
    %lt3A = vector.broadcast %slice3A_138 : vector<1x1xi32> to vector<96x1xi32>
    %lt3A_140 = arith.cmpi slt, %iota3A_139, %lt3A : vector<96x1xi32>
    %jit3A_141 = arith.constant 1 : i32
    %jit3A_142 = arith.constant 0 : i32
    %broadcast_in_dim3A_143 = vector.broadcast %jit3A_141 : i32 to vector<96x1xi32>
    %broadcast_in_dim3A_144 = vector.broadcast %jit3A_142 : i32 to vector<96x1xi32>
    %select_n3A_145 = arith.select %lt3A_140, %broadcast_in_dim3A_143, %broadcast_in_dim3A_144 : vector<96x1xi1>, vector<96x1xi32>
    %swap3A_146 = arith.constant 0 : index
    %swap3A_147 = arith.constant 0 : index
    %swap3A_148 = vector.load %arg5[%swap3A_146, %swap3A_147] : memref<96x1xi32, #tpu.memory_space<vmem>>, vector<96x1xi32>
    tpu.vector_store %arg5[%swap3A_146, %swap3A_147], %select_n3A_145 {strides = array<i32>} : memref<96x1xi32, #tpu.memory_space<vmem>>, vector<96x1xi32>,
    return
  }
}

module attributes {stable_mosaic.version = 14 : i64} {
  func.func @_ffn_body(%arg0: i32, %arg1: memref<96xi32, #tpu.memory_space<smem>>, %arg2: memref<96xi32, #tpu.memory_space<smem>>, %arg3: memref<64x768xf32, #tpu.memory_space<vmem>>, %arg4: memref<1x768x1024xf32, #tpu.memory_space<vmem>>, %arg5: memref<1x1x1024xf32, #tpu.memory_space<vmem>>, %arg6: memref<1x1024x768xf32, #tpu.memory_space<vmem>>, %arg7: memref<1x1x768xf32, #tpu.memory_space<vmem>>, %arg8: memref<64x768xf32, #tpu.memory_space<vmem>>) attributes {dimension_semantics = [#tpu.dimension_semantics<arbitrary>], iteration_bounds = array<i64: 96>, scalar_prefetch = 2 : i64, scratch_operands = 0 : i64, tpu.core_type = #tpu.core_type<tc>, window_params = [{transform_indices = @transform_0, window_bounds = array<i64: 64, 768>}, {transform_indices = @transform_1, window_bounds = array<i64: 1, 768, 1024>}, {transform_indices = @transform_2, window_bounds = array<i64: 1, 1, 1024>}, {transform_indices = @transform_3, window_bounds = array<i64: 1, 1024, 768>}, {transform_indices = @transform_4, window_bounds = array<i64: 1, 1, 768>}, {transform_indices = @transform_5, window_bounds = array<i64: 64, 768>}]} {
    %get3A = arith.index_cast %arg0 : i32 to index
    %get3A_0 = memref.load %arg2[%get3A] : memref<96xi32, #tpu.memory_space<smem>>
    %eq3A = arith.constant 1 : i32
    %eq3A_1 = arith.cmpi eq, %get3A_0, %eq3A : i32
    %convert_element_type3A = arith.extui %eq3A_1 : i1 to i32
    %cond3A = arith.constant 0 : i32
    %cond3A_2 = arith.cmpi ne, %convert_element_type3A, %cond3A : i32
    scf.if %cond3A_2 {
      %get3A_3 = arith.constant 0 : index
      %get3A_4 = arith.constant 0 : index
      %get3A_5 = vector.load %arg3[%get3A_3, %get3A_4] : memref<64x768xf32, #tpu.memory_space<vmem>>, vector<64x768xf32>
      %get3A_6 = arith.constant 0 : index
      %get3A_7 = arith.constant 0 : index
      %get3A_8 = arith.constant 0 : index
      %get3A_9 = vector.load %arg4[%get3A_6, %get3A_7, %get3A_8] : memref<1x768x1024xf32, #tpu.memory_space<vmem>>, vector<1x768x1024xf32>
      %get3A_10 = vector.shape_cast %get3A_9 : vector<1x768x1024xf32> to vector<768x1024xf32>
      %dot_general3A = arith.constant dense<0.000000e+00> : vector<64x1024xf32>
      %dot_general3A_11 = tpu.matmul %get3A_5, %get3A_10, %dot_general3A {dimension_numbers = #tpu.dot_dimension_numbers<[1], [0], [0], [1], [0, 0, 1, 1], [], []>, transpose_lhs_hint = false} : vector<64x768xf32>, vector<768x1024xf32>, vector<64x1024xf32> -> vector<64x1024xf32>
      %get3A_12 = arith.constant 0 : index
      %get3A_13 = arith.constant 0 : index
      %get3A_14 = arith.constant 0 : index
      %get3A_15 = vector.load %arg5[%get3A_12, %get3A_13, %get3A_14] : memref<1x1x1024xf32, #tpu.memory_space<vmem>>, vector<1x1x1024xf32>
      %get3A_16 = vector.shape_cast %get3A_15 : vector<1x1x1024xf32> to vector<1x1024xf32>
      %add3A = vector.broadcast %get3A_16 : vector<1x1024xf32> to vector<64x1024xf32>
      %add3A_17 = arith.addf %dot_general3A_11, %add3A : vector<64x1024xf32>
      %max3A = arith.constant 0.000000e+00 : f32
      %max3A_18 = vector.broadcast %max3A : f32 to vector<64x1024xf32>
      %max3A_19 = arith.maximumf %add3A_17, %max3A_18 : vector<64x1024xf32>
      %get3A_20 = arith.constant 0 : index
      %get3A_21 = arith.constant 0 : index
      %get3A_22 = arith.constant 0 : index
      %get3A_23 = vector.load %arg6[%get3A_20, %get3A_21, %get3A_22] : memref<1x1024x768xf32, #tpu.memory_space<vmem>>, vector<1x1024x768xf32>
      %get3A_24 = vector.shape_cast %get3A_23 : vector<1x1024x768xf32> to vector<1024x768xf32>
      %dot_general3A_25 = arith.constant dense<0.000000e+00> : vector<64x768xf32>
      %dot_general3A_26 = tpu.matmul %max3A_19, %get3A_24, %dot_general3A_25 {dimension_numbers = #tpu.dot_dimension_numbers<[1], [0], [0], [1], [0, 0, 1, 1], [], []>, transpose_lhs_hint = false} : vector<64x1024xf32>, vector<1024x768xf32>, vector<64x768xf32> -> vector<64x768xf32>
      %get3A_27 = arith.constant 0 : index
      %get3A_28 = arith.constant 0 : index
      %get3A_29 = arith.constant 0 : index
      %get3A_30 = vector.load %arg7[%get3A_27, %get3A_28, %get3A_29] : memref<1x1x768xf32, #tpu.memory_space<vmem>>, vector<1x1x768xf32>
      %get3A_31 = vector.shape_cast %get3A_30 : vector<1x1x768xf32> to vector<1x768xf32>
      %add3A_32 = vector.broadcast %get3A_31 : vector<1x768xf32> to vector<64x768xf32>
      %add3A_33 = arith.addf %dot_general3A_26, %add3A_32 : vector<64x768xf32>
      %swap3A = arith.constant 0 : index
      %swap3A_34 = arith.constant 0 : index
      %swap3A_35 = vector.load %arg8[%swap3A, %swap3A_34] : memref<64x768xf32, #tpu.memory_space<vmem>>, vector<64x768xf32>
      tpu.vector_store %arg8[%swap3A, %swap3A_34], %add3A_33 {strides = array<i32>} : memref<64x768xf32, #tpu.memory_space<vmem>>, vector<64x768xf32>,
    } else {
    }
    return
  }
  func.func @transform_0(%arg0: i32, %arg1: memref<96xi32, #tpu.memory_space<smem>>, %arg2: memref<96xi32, #tpu.memory_space<smem>>) -> (i32, i32) {
    %c0_i32 = arith.constant 0 : i32
    %c0_i32_0 = arith.constant 0 : i32
    return %arg0, %c0_i32 : i32, i32
  }
  func.func @transform_1(%arg0: i32, %arg1: memref<96xi32, #tpu.memory_space<smem>>, %arg2: memref<96xi32, #tpu.memory_space<smem>>) -> (i32, i32, i32) {
    %get3A = arith.index_cast %arg0 : i32 to index
    %get3A_0 = memref.load %arg1[%get3A] : memref<96xi32, #tpu.memory_space<smem>>
    %c0_i32 = arith.constant 0 : i32
    %c0_i32_1 = arith.constant 0 : i32
    %c0_i32_2 = arith.constant 0 : i32
    return %get3A_0, %c0_i32, %c0_i32_1 : i32, i32, i32
  }
  func.func @transform_2(%arg0: i32, %arg1: memref<96xi32, #tpu.memory_space<smem>>, %arg2: memref<96xi32, #tpu.memory_space<smem>>) -> (i32, i32, i32) {
    %get3A = arith.index_cast %arg0 : i32 to index
    %get3A_0 = memref.load %arg1[%get3A] : memref<96xi32, #tpu.memory_space<smem>>
    %c0_i32 = arith.constant 0 : i32
    %c0_i32_1 = arith.constant 0 : i32
    %c0_i32_2 = arith.constant 0 : i32
    return %get3A_0, %c0_i32, %c0_i32_1 : i32, i32, i32
  }
  func.func @transform_3(%arg0: i32, %arg1: memref<96xi32, #tpu.memory_space<smem>>, %arg2: memref<96xi32, #tpu.memory_space<smem>>) -> (i32, i32, i32) {
    %get3A = arith.index_cast %arg0 : i32 to index
    %get3A_0 = memref.load %arg1[%get3A] : memref<96xi32, #tpu.memory_space<smem>>
    %c0_i32 = arith.constant 0 : i32
    %c0_i32_1 = arith.constant 0 : i32
    %c0_i32_2 = arith.constant 0 : i32
    return %get3A_0, %c0_i32, %c0_i32_1 : i32, i32, i32
  }
  func.func @transform_4(%arg0: i32, %arg1: memref<96xi32, #tpu.memory_space<smem>>, %arg2: memref<96xi32, #tpu.memory_space<smem>>) -> (i32, i32, i32) {
    %get3A = arith.index_cast %arg0 : i32 to index
    %get3A_0 = memref.load %arg1[%get3A] : memref<96xi32, #tpu.memory_space<smem>>
    %c0_i32 = arith.constant 0 : i32
    %c0_i32_1 = arith.constant 0 : i32
    %c0_i32_2 = arith.constant 0 : i32
    return %get3A_0, %c0_i32, %c0_i32_1 : i32, i32, i32
  }
  func.func @transform_5(%arg0: i32, %arg1: memref<96xi32, #tpu.memory_space<smem>>, %arg2: memref<96xi32, #tpu.memory_space<smem>>) -> (i32, i32) {
    %c0_i32 = arith.constant 0 : i32
    %c0_i32_0 = arith.constant 0 : i32
    return %arg0, %c0_i32 : i32, i32
  }
}

</mosaic_0001>

<sc_bundles>
// kernel: kernel.6.cloned.1.call-start
scs
__scs_entry_jumppad:
0x0: {  	(pc) =	sbr.rel $0x88, $3  }
0x1: {  	(tag) =	ssettag $0x0;
	lr =	simm.s32 $0x1  }
0x2: {  	[smem:$0x3F9A] =	sst lr;
	_ =	strace $0xD0000000  }
0x3: {  	_ = 	snop  }
0x4: {  	_ = 	snop  }
0x5: {  	_ = 	snop  }
0x6: {  	_ = 	snop  }
0x7: {  	_ = 	snop  }
__scs_overlays_trampoline_lowered:
0x8: {  	[smem:$0x3FA9] =	sst s0  }
0x9: {  	[smem:$0x3FAA] =	sst s1  }
0xa: {  	[smem:$0x3FAB] =	sst s2  }
0xb: {  	[smem:$0x3FAC] =	sst s3  }
0xc: {  	[smem:$0x3FAD] =	sst s4  }
0xd: {  	[smem:$0x3FAE] =	sst s5  }
0xe: {  	[smem:$0x3FAF] =	sst s6  }
0xf: {  	[smem:$0x3FB0] =	sst s7  }
0x10: {  	[smem:$0x3FB1] =	sst s8  }
0x11: {  	[smem:$0x3FB2] =	sst s9;
	s0 =	simm.s32 @!p0 $0x0  }
0x12: {  	s1 =	sld [smem:$0x3F98];
	s0 =	simm.s32 @p0 $0x1  }
0x13: {  	[smem:$0x3FB3] =	sst s0;
	s0 =	simm.s32 @!p1 $0x0  }
0x14: {  	s2 =	sld [smem:$0x3F97];
	s0 =	simm.s32 @p1 $0x1  }
0x15: {  	[smem:$0x3FB4] =	sst s0;
	s0 =	simm.s32 @!p2 $0x0  }
0x16: {  	s3 =	sld [smem:$0x3FDB];
	s0 =	simm.s32 @p2 $0x1  }
0x17: {  	s4 =	simm.s32 $0x1BF5;
	[smem:$0x3FB6] =	sst s0  }
0x18: {  	s0 =	sld [smem:$0x3F99];
	_ =	swait.ge [sflag:s4], $0x0  }
0x19: {  	s7 =	sld [smem:$0x3F9A]  }
0x1a: {  	s8 =	sadd.s32 $0xFFFFE003, lr  }
0x1b: {  	s9 =	sadd.s32 $0xFFFFFEF7, lr;
	s5 =	simm.s32 $0xFFFFFFFF;
	p2 =	slt.u32 s8, $0xFFFFF086  }
0x1c: {  	p1 =	slt.u32 s9, $0xF7A;
	s5 =	simm.s32 @!p2 $0x0  }
0x1d: {  	s5 =	simm.s32 @p1 $0x1;
	p0 =	seq.s32 s7, s2  }
0x1e: {  	s7 =	smul.u32 @!p0 $0xF7A, s2;
	p2 =	seq.s32 @!p0 s5, $0x0  }
0x1f: {  	s9 =	smul.u32 $0xF7A, s1;
	s8 =	simm.s32 @!p0 $0x1BF5;
	p2 =	por !p2, p0  }
0x20: {  	[sflag:s8] =	ssyncset.s32 @!p0 $0xFFFFF086;
	s6 =	sadd.s32 @!p0 s3, s7;
	s7 =	simm.s32 @!p0 $0x108  }
0x21: {  	s3 =	sadd.s32 s3, s9;
	s6 =	sadd.s32 @!p0 $0x88, s6;
	s7 =	simm.s32 @p2 $0x1082  }
0x22: {  	[simem:s7], [sflag:s8] =	dma.local @!p0 [hbm:s6], $0xF7A  }
0x23: {  	s9 =	sor.u32 $0xD0000000, s2;
	s6 =	simm.s32 $0x108;
	_ =	swait.ge @!p0 [sflag:s8], $0x0  }
0x24: {  	s3 =	sadd.s32 $0x88, s3;
	s6 =	simm.s32 @!p1 $0x1082;
	[sflag:s4] =	ssyncset.s32 $0xFFFFF086  }
0x25: {  	[simem:s6], [sflag:s4] =	dma.local [hbm:s3], $0xF7A  }
0x26: {  	[smem:$0x3F9A] =	sst s1;
	(tag) =	ssettag s2;
	_ =	strace s9  }
0x27: {  	s1 =	sld [smem:$0x3FAA]  }
0x28: {  	s2 =	sld [smem:$0x3FAB]  }
0x29: {  	s4 =	sld [smem:$0x3FAD]  }
0x2a: {  	p0 =	seq.s32 s5, $0x0;
	s5 =	sld [smem:$0x3FAE]  }
0x2b: {  	s6 =	sld [smem:$0x3FAF]  }
0x2c: {  	s7 =	sld [smem:$0x3FB0]  }
0x2d: {  	s3 =	simm.s32 $0x108;
	s8 =	sld [smem:$0x3FB1]  }
0x2e: {  	s3 =	simm.s32 @!p0 $0x1082;
	s9 =	sld [smem:$0x3FB2]  }
0x2f: {  	lr =	sadd.s32 s0, s3;
	s0 =	sld [smem:$0x3FA9]  }
0x30: {  	s3 =	sld [smem:$0x3FAC]  }
0x31: {  	[smem:$0x3FB5] =	sst s10  }
0x32: {  	s10 =	sld [smem:$0x3FB3];
	_ =	sdelay $0x3  }
0x33: {  	p0 =	seq.s32 s10, $0x1;
	s10 =	sld [smem:$0x3FB5];
	_ =	sdelay $0x3  }
0x34: {  	[smem:$0x3FB5] =	sst s10  }
0x35: {  	s10 =	sld [smem:$0x3FB4];
	_ =	sdelay $0x3  }
0x36: {  	p1 =	seq.s32 s10, $0x1;
	s10 =	sld [smem:$0x3FB5];
	_ =	sdelay $0x3  }
0x37: {  	[smem:$0x3FB5] =	sst s10  }
0x38: {  	s10 =	sld [smem:$0x3FB6]  }
0x39: {  	_ = 	snop;
	(pc) =	sbr.ind lr, $3  }
0x3a: {  	_ = 	snop  }
0x3b: {  	_ = 	snop  }
0x3c: {  	p2 =	seq.s32 s10, $0x1;
	s10 =	sld [smem:$0x3FB5]  }
0x3d: {  	_ =	shalt  }
0x3e: {  	_ =	shalt  }
0x3f: {  	_ =	shalt  }
0x40: {  	_ =	shalt  }
0x41: {  	_ =	shalt  }
0x42: {  	_ =	shalt  }
0x43: {  	_ =	shalt  }
0x44: {  	_ =	shalt  }
0x45: {  	_ =	shalt  }
0x46: {  	_ =	shalt  }
0x47: {  	_ =	shalt  }
0x48: {  	_ =	shalt  }
0x49: {  	_ =	shalt  }
0x4a: {  	_ =	shalt  }
0x4b: {  	_ =	shalt  }
0x4c: {  	_ =	shalt  }
0x4d: {  	_ =	shalt  }
0x4e: {  	_ =	shalt  }
0x4f: {  	_ =	shalt  }
0x50: {  	_ =	shalt  }
0x51: {  	_ =	shalt  }
0x52: {  	_ =	shalt  }
0x53: {  	_ =	shalt  }
0x54: {  	_ =	shalt  }
0x55: {  	_ =	shalt  }
0x56: {  	_ =	shalt  }
0x57: {  	_ =	shalt  }
0x58: {  	_ =	shalt  }
0x59: {  	_ =	shalt  }
0x5a: {  	_ =	shalt  }
0x5b: {  	_ =	shalt  }
0x5c: {  	_ =	shalt  }
0x5d: {  	_ =	shalt  }
0x5e: {  	_ =	shalt  }
0x5f: {  	_ =	shalt  }
0x60: {  	_ =	shalt  }
0x61: {  	_ =	shalt  }
0x62: {  	_ =	shalt  }
0x63: {  	_ =	shalt  }
0x64: {  	_ =	shalt  }
0x65: {  	_ =	shalt  }
0x66: {  	_ =	shalt  }
0x67: {  	_ =	shalt  }
0x68: {  	_ =	shalt  }
0x69: {  	_ =	shalt  }
0x6a: {  	_ =	shalt  }
0x6b: {  	_ =	shalt  }
0x6c: {  	_ =	shalt  }
0x6d: {  	_ =	shalt  }
0x6e: {  	_ =	shalt  }
0x6f: {  	_ =	shalt  }
0x70: {  	_ =	shalt  }
0x71: {  	_ =	shalt  }
0x72: {  	_ =	shalt  }
0x73: {  	_ =	shalt  }
0x74: {  	_ =	shalt  }
0x75: {  	_ =	shalt  }
0x76: {  	_ =	shalt  }
0x77: {  	_ =	shalt  }
0x78: {  	_ =	shalt  }
0x79: {  	_ =	shalt  }
0x7a: {  	_ =	shalt  }
0x7b: {  	_ =	shalt  }
0x7c: {  	_ =	shalt  }
0x7d: {  	_ =	shalt  }
0x7e: {  	_ =	shalt  }
0x7f: {  	_ =	shalt  }
0x80: {  	_ =	shalt  }
0x81: {  	_ =	shalt  }
0x82: {  	_ =	shalt  }
0x83: {  	_ =	shalt  }
0x84: {  	_ =	shalt  }
0x85: {  	_ =	shalt  }
0x86: {  	_ =	shalt  }
0x87: {  	_ =	shalt  }
.Lfunc_end0:
.L_simem_size_0:
called_computation_lowered:
.L_overlay_start_0:
0x88: {  	s2 =	sld [smem:$0x3FD9]  }
0x89: {  	s3 =	sld [smem:$0x3FFE];
	_ =	sdelay $0x1  }
0x8a: {  	s1 =	srdreg.scid  }
0x8b: {  	s0 =	sand.u32 $0x1, s1  }
0x8c: {  	s17 =	sshll.u32 s0, $0xA;
	s2 =	sadd.s32 s3, s2  }
0x8d: {  	s2 =	sadd.s32 s2, s17  }
0x8e: {  	[smem:$0x3FC1] =	sst s2  }
0x8f: {  	_ = 	snop  }
0x90: {  	s2 =	sld [smem:$0x3FD0];
	(tm) =	ssettm $0x1  }
0x91: {  	s18 =	sld [smem:$0x3FFB];
	_ =	sdelay $0x3  }
0x92: {  	_ =	strace s18  }
0x93: {  	s3 =	sld [smem:$0x3FFC];
	_ =	sdelay $0x3  }
0x94: {  	_ =	strace s3  }
0x95: {  	s3 =	sld [smem:$0x3FFD];
	_ =	sdelay $0x3  }
0x96: {  	_ =	strace s3  }
0x97: {  	_ =	strace $0x8FFFFFFF  }
0x98: {  	s19 =	sld [smem:$0x3FDB];
	_ =	sdelay $0x1  }
0x99: {  	s4 =	simm.s32 $_scs_section_size  }
0x9a: {  	s5 =	simm.s32 $_size__tile_overlayer_lowered;
	s6 =	simm.s32 $_tile_overlayer_lowered  }
0x9b: {  	s22 =	simm.s32 $0x1BFF;
	s21 =	sshll.u32 s6, $0x1;
	s3 =	sadd.s32 s4, s19  }
0x9c: {  	s7 =	simm.s32 $0x0;
	s20 =	sshll.u32 s5, $0x1;
	s5 =	sadd.s32 s21, s3  }
0x9d: {  	[timem:s7], [sflag:s22] =	dma.local [hbm:s5], s20  }
0x9e: {  	_ =	swait.ge [sflag:s22], s20  }
0x9f: {  	s4 =	ssub.s32 $0x0, s20;
	[sflag:s22] =	ssyncset.done $0x0  }
0xa0: {  	[sflag:s22] =	ssyncadd.s32 s4;
	_ =	sdelay $0x1  }
0xa1: {  	s23 =	simm.s32 $0x1B8B  }
0xa2: {  	_ =	swait.ge [sflag:s23], $0x1  }
0xa3: {  	[sflag:s23] =	ssyncset.done $0x0  }
0xa4: {  	s25 =	simm.s32 $0x1B8E;
	s24 =	sld [smem:$0x3FFE];
	[sflag:s23] =	ssyncadd.s32 $0xFFFFFFFF  }
0xa5: {  	s26 =	simm.s32 $execute0_lowered;
	[smem:$0x3FD2] =	sst s25  }
0xa6: {  	s5 =	sshll.u32 s26, $0x1;
	_ =	strace $0x80000046;
	[dreg:$0x1] =	wrdreg $0xFFFFFFFF  }
0xa7: {  	s28 =	simm.s32 $_size_execute0_lowered;
	s3 =	sadd.s32 s3, s5;
	[dreg:$0x0] =	wrdreg $0x0  }
0xa8: {  	s5 =	sshll.u32 s28, $0x1;
	[dreg:$0x2] =	wrdreg s3  }
0xa9: {  	[dreg:$0x3] =	wrdreg s5  }
0xaa: {  	[dreg:$0x4] =	wrdreg $0xC0  }
0xab: {  	_ =	task [dreg:s7], $0x5FFFF  }
0xac: {  	[dreg:$0x1] =	wrdreg $0xFFFFFFFF  }
0xad: {  	[dreg:$0x0] =	wrdreg $0x60  }
0xae: {  	[dreg:$0x2] =	wrdreg s2  }
0xaf: {  	[dreg:$0x3] =	wrdreg s24  }
0xb0: {  	[dreg:$0x4] =	wrdreg $0x9  }
0xb1: {  	_ =	task.clear_ibuf [dreg:s7], $0x5FFFF;
	_ =	strace $0x90000046  }
0xb2: {  	s29 =	simm.s32 $0x9;
	_ =	strace $0x80000048  }
0xb3: {  	_ =	swait.ge [sflag:s29], $0x1  }
0xb4: {  	[sflag:s29] =	ssyncadd.s32 $0xFFFFFFFF  }
0xb5: {  	_ =	strace $0x90000048  }
0xb6: {  	_ =	sfence  }
0xb7: {  	s30 =	sld [smem:$0x0];
	_ =	sdelay $0x2  }
0xb8: {  	s31 =	sshll.u32 s1, $0xD;
	s1 =	sshrl.u32 s1, $0x2  }
0xb9: {  	s3 =	sand.u32 $0x4000, s31;
	s1 =	sadd.s32 s1, s30  }
0xba: {  	s0 =	sor.u32 s3, s0;
	s1 =	sshll.u32 s1, $0x11  }
0xbb: {  	s0 =	sor.u32 s1, s0  }
0xbc: {  	s0 =	sadd.s32 $0x8F2B, s0  }
0xbd: {  	[sflag:s0] =	ssyncadd.remote.s32 $0x1  }
0xbe: {  	_ =	sfence.sel $0xFFFF  }
0xbf: {  	[dreg:$0x0] =	wrdreg $0xFFFFFFFF;
	(pc) =	sbr.abs _section_cstart, $3  }
0xc0: {  	[dreg:$0x1] =	wrdreg $0xFFFFFFFF  }
0xc1: {  	_ =	task.clear_ibuf [dreg:s7], $0x2FFFF;
	_ =	strace $0x9FFFFFFF  }
0xc2: {  	(tm) =	ssettm $0x7FFFFFFF  }
0xc3: {  	_ =	shalt  }
tec
execute0_lowered:
.L_overlay_start_1:
0x0: {  	(tag) =	ssettag $0x1  }
0x1: {  	s1 =	srdreg.scid  }
0x2: {  	s3 =	rddreg [dreg:$0x0];
	s0 =	stileid.u32  }
0x3: {  	s5 =	rddreg [dreg:$0x1];
	s2 =	simm.s32 $0x0;
	s8 =	simm.s32 $0x80  }
0x4: {  	s26 =	simm.s32 $0x880;
	s9 =	simm.s32 $0x1080;
	s10 =	simm.s32 $0x1880  }
0x5: {  	s11 =	simm.s32 $0x2080;
	s12 =	simm.s32 $0x2880;
	s13 =	simm.s32 $0x3080  }
0x6: {  	s14 =	simm.s32 $0x3880;
	s15 =	simm.s32 $0x4080;
	s16 =	simm.s32 $0x4880  }
0x7: {  	s17 =	simm.s32 $0x5080;
	s18 =	simm.s32 $0x5880;
	s19 =	simm.s32 $0x6080  }
0x8: {  	s20 =	simm.s32 $0x6880;
	s21 =	simm.s32 $0x7080;
	s22 =	simm.s32 $0x7880  }
0x9: {  	s23 =	simm.s32 $0x8080;
	s24 =	simm.s32 $0x8880;
	s25 =	simm.s32 $0x9080  }
0xa: {  	s28 =	simm.s32 $0xA080;
	s29 =	simm.s32 $0xA880;
	s30 =	simm.s32 $0xB080  }
0xb: {  	s31 =	simm.s32 $0xB880;
	s1 =	sand.u32 $0x1, s1;
	[smem:$0x7FF] =	sst s2  }
0xc: {  	s4 =	sshll.u32 s0, $0x4;
	s6 =	sshll.u32 s1, $0x3;
	_ =	strace $0x80000047  }
0xd: {  	s1 =	ssub.s32 $0x2, s1;
	[dreg:$0x5] =	wrdreg s26;
	s4 =	sor.u32 s6, s4  }
0xe: {  	s7 =	sshrl.u32 s1, $0x1;
	s6 =	sadd.s32 s4, s5;
	s4 =	smul.u32 $0x300, s4  }
0xf: {  	s26 =	simm.s32 $0x9880;
	s1 =	ssub.s32 s1, s7;
	s6 =	sadd.s32 $0x400, s6  }
0x10: {  	v2 =	vlaneseq.u32;
	s7 =	simm.s32 $0x2;
	[dreg:$0x3] =	wrdreg s6;
	s4 =	sadd.s32 s3, s4  }
0x11: {  	vm0 =	vmmov $0xffff;
	v1 =	vshrl.u32 v2, $0x3;
	s3 =	sadd.s32 $0x600, s5;
	s6 =	smax.u32 s1, $0x1;
	s1 =	simm.s32 $0x1  }
0x12: {  	v0 =	vand.u32 $0x7, v2;
	v2 =	vor.u32 $0x8, v2;
	v1 =	vmul.u32 $0x8, v1;
	[dreg:$0x4] =	wrdreg s4;
	s4 =	sadd.s32 $0x700, s5;
	s5 =	sadd.s32 $0x800, s5  }
.LBB2_1:
0x13: {  	s0 =	rddreg [dreg:$0x3]  }
0x14: {  	[tilespmem:s2], [sflag:$0x2] =	stream.linear.gather [hbm4b:s0+s2], $0x40, $0x38;
	[tilespmem:$0xC080] =	vst v63  }
0x15: {  	_ =	swait.ge [sflag:s7], $0x40  }
0x16: {  	[sflag:s7] =	ssyncset.done $0x0  }
0x17: {  	s0 =	rddreg [dreg:$0x4];
	[sflag:s7] =	ssyncadd.s32 $0xFFFFFFC0  }
0x18: {  	[tilespmem:s8], [sflag:$0x2] =	stream.linear.gather [hbm4b:s0+s2], $0xC000, $0x38;
	[tilespmem:$0xC080] =	vst v63  }
0x19: {  	_ =	swait.ge [sflag:s7], $0xC000  }
0x1a: {  	[sflag:s7] =	ssyncset.done $0x0  }
0x1b: {  	[sflag:s7] =	ssyncadd.s32 $0xFFFF4000  }
0x1c: {  	v3 =	vld [tilespmem:$0x0];
	_ =	sdelay $0x4  }
0x1d: {  	v4 =	vshrl.u32 v3, $0x3  }
0x1e: {  	v4 =	vmul.u32 $0x30, v4  }
0x1f: {  	v3 =	vand.u32 $0x7, v3  }
0x20: {  	v3 =	vor.u32 v3, v4  }
0x21: {  	v4 =	vperm.xlane v3, v0;
	_ =	sdelay $0x1  }
0x22: {  	v4 =	vadd.s32 v1, v4;
	_ =	sdelay $0x3  }
0x23: {  	v3 =	vperm.xlane v3, v2  }
0x24: {  	[hbm4b:s3+s2] =	stream.indirect_vreg.scatter [tilespmem:s8], [sflag:$0x1], $0x80, v4, vm0, $0xb8;
	[tilespmem:$0xC080] =	vst v63  }
0x25: {  	s0 =	rddreg [dreg:$0x5];
	v3 =	vadd.s32 v1, v3  }
0x26: {  	[hbm4b:s4+s2] =	stream.indirect_vreg.scatter [tilespmem:s0], [sflag:$0x1], $0x80, v4, vm0, $0xb8;
	[tilespmem:$0xC080] =	vst v63  }
0x27: {  	_ = 	snop  }
0x28: {  	[hbm4b:s5+s2] =	stream.indirect_vreg.scatter [tilespmem:s9], [sflag:$0x1], $0x80, v4, vm0, $0xb8;
	[tilespmem:$0xC080] =	vst v63  }
0x29: {  	_ = 	snop  }
0x2a: {  	[hbm4b:s3+s2] =	stream.indirect_vreg.scatter [tilespmem:s10], [sflag:$0x1], $0x80, v3, vm0, $0xb8;
	[tilespmem:$0xC080] =	vst v63  }
0x2b: {  	_ = 	snop  }
0x2c: {  	[hbm4b:s4+s2] =	stream.indirect_vreg.scatter [tilespmem:s11], [sflag:$0x1], $0x80, v3, vm0, $0xb8;
	[tilespmem:$0xC080] =	vst v63  }
0x2d: {  	_ = 	snop  }
0x2e: {  	[hbm4b:s5+s2] =	stream.indirect_vreg.scatter [tilespmem:s12], [sflag:$0x1], $0x80, v3, vm0, $0xb8;
	[tilespmem:$0xC080] =	vst v63  }
0x2f: {  	v3 =	vld [tilespmem:$0x10];
	_ =	sdelay $0x4  }
0x30: {  	v61 =	vshrl.u32 v3, $0x3  }
0x31: {  	v4 =	vmul.u32 $0x30, v61  }
0x32: {  	v3 =	vand.u32 $0x7, v3  }
0x33: {  	v3 =	vor.u32 v3, v4  }
0x34: {  	v4 =	vperm.xlane v3, v0;
	_ =	sdelay $0x1  }
0x35: {  	v4 =	vadd.s32 v1, v4;
	_ =	sdelay $0x3  }
0x36: {  	v3 =	vperm.xlane v3, v2  }
0x37: {  	[hbm4b:s3+s2] =	stream.indirect_vreg.scatter [tilespmem:s13], [sflag:$0x1], $0x80, v4, vm0, $0xb8;
	[tilespmem:$0xC080] =	vst v63  }
0x38: {  	v3 =	vadd.s32 v1, v3  }
0x39: {  	[hbm4b:s4+s2] =	stream.indirect_vreg.scatter [tilespmem:s14], [sflag:$0x1], $0x80, v4, vm0, $0xb8;
	[tilespmem:$0xC080] =	vst v63  }
0x3a: {  	_ = 	snop  }
0x3b: {  	[hbm4b:s5+s2] =	stream.indirect_vreg.scatter [tilespmem:s15], [sflag:$0x1], $0x80, v4, vm0, $0xb8;
	[tilespmem:$0xC080] =	vst v63  }
0x3c: {  	_ = 	snop  }
0x3d: {  	[hbm4b:s3+s2] =	stream.indirect_vreg.scatter [tilespmem:s16], [sflag:$0x1], $0x80, v3, vm0, $0xb8;
	[tilespmem:$0xC080] =	vst v63  }
0x3e: {  	_ = 	snop  }
0x3f: {  	[hbm4b:s4+s2] =	stream.indirect_vreg.scatter [tilespmem:s17], [sflag:$0x1], $0x80, v3, vm0, $0xb8;
	[tilespmem:$0xC080] =	vst v63  }
0x40: {  	_ = 	snop  }
0x41: {  	[hbm4b:s5+s2] =	stream.indirect_vreg.scatter [tilespmem:s18], [sflag:$0x1], $0x80, v3, vm0, $0xb8;
	[tilespmem:$0xC080] =	vst v63  }
0x42: {  	v3 =	vld [tilespmem:$0x20];
	_ =	sdelay $0x4  }
0x43: {  	v62 =	vshrl.u32 v3, $0x3  }
0x44: {  	v4 =	vmul.u32 $0x30, v62  }
0x45: {  	v3 =	vand.u32 $0x7, v3  }
0x46: {  	v3 =	vor.u32 v3, v4  }
0x47: {  	v4 =	vperm.xlane v3, v0;
	_ =	sdelay $0x1  }
0x48: {  	v4 =	vadd.s32 v1, v4;
	_ =	sdelay $0x3  }
0x49: {  	v3 =	vperm.xlane v3, v2  }
0x4a: {  	[hbm4b:s3+s2] =	stream.indirect_vreg.scatter [tilespmem:s19], [sflag:$0x1], $0x80, v4, vm0, $0xb8;
	[tilespmem:$0xC080] =	vst v63  }
0x4b: {  	v3 =	vadd.s32 v1, v3  }
0x4c: {  	[hbm4b:s4+s2] =	stream.indirect_vreg.scatter [tilespmem:s20], [sflag:$0x1], $0x80, v4, vm0, $0xb8;
	[tilespmem:$0xC080] =	vst v63  }
0x4d: {  	_ = 	snop  }
0x4e: {  	[hbm4b:s5+s2] =	stream.indirect_vreg.scatter [tilespmem:s21], [sflag:$0x1], $0x80, v4, vm0, $0xb8;
	[tilespmem:$0xC080] =	vst v63  }
0x4f: {  	_ = 	snop  }
0x50: {  	[hbm4b:s3+s2] =	stream.indirect_vreg.scatter [tilespmem:s22], [sflag:$0x1], $0x80, v3, vm0, $0xb8;
	[tilespmem:$0xC080] =	vst v63  }
0x51: {  	_ = 	snop  }
0x52: {  	[hbm4b:s4+s2] =	stream.indirect_vreg.scatter [tilespmem:s23], [sflag:$0x1], $0x80, v3, vm0, $0xb8;
	[tilespmem:$0xC080] =	vst v63  }
0x53: {  	_ = 	snop  }
0x54: {  	[hbm4b:s5+s2] =	stream.indirect_vreg.scatter [tilespmem:s24], [sflag:$0x1], $0x80, v3, vm0, $0xb8;
	[tilespmem:$0xC080] =	vst v63  }
0x55: {  	v3 =	vld [tilespmem:$0x30];
	_ =	sdelay $0x4  }
0x56: {  	v63 =	vshrl.u32 v3, $0x3  }
0x57: {  	v4 =	vmul.u32 $0x30, v63  }
0x58: {  	v3 =	vand.u32 $0x7, v3  }
0x59: {  	v3 =	vor.u32 v3, v4  }
0x5a: {  	v4 =	vperm.xlane v3, v0;
	_ =	sdelay $0x1  }
0x5b: {  	v4 =	vadd.s32 v1, v4;
	_ =	sdelay $0x3  }
0x5c: {  	v3 =	vperm.xlane v3, v2  }
0x5d: {  	[hbm4b:s3+s2] =	stream.indirect_vreg.scatter [tilespmem:s25], [sflag:$0x1], $0x80, v4, vm0, $0xb8;
	[tilespmem:$0xC080] =	vst v63  }
0x5e: {  	v3 =	vadd.s32 v1, v3  }
0x5f: {  	[hbm4b:s4+s2] =	stream.indirect_vreg.scatter [tilespmem:s26], [sflag:$0x1], $0x80, v4, vm0, $0xb8;
	[tilespmem:$0xC080] =	vst v63  }
0x60: {  	_ = 	snop  }
0x61: {  	[hbm4b:s5+s2] =	stream.indirect_vreg.scatter [tilespmem:s28], [sflag:$0x1], $0x80, v4, vm0, $0xb8;
	[tilespmem:$0xC080] =	vst v63  }
0x62: {  	_ = 	snop  }
0x63: {  	[hbm4b:s3+s2] =	stream.indirect_vreg.scatter [tilespmem:s29], [sflag:$0x1], $0x80, v3, vm0, $0xb8;
	[tilespmem:$0xC080] =	vst v63  }
0x64: {  	p0 =	sne.s32 s6, $0x1  }
0x65: {  	[hbm4b:s4+s2] =	stream.indirect_vreg.scatter [tilespmem:s30], [sflag:$0x1], $0x80, v3, vm0, $0xb8;
	[tilespmem:$0xC080] =	vst v63  }
.Ltmp0:
0x66: {  	_ = 	snop;
	(pc) =	sbr.rel @p0 .LBB2_1-.Ltmp0, $4  }
0x67: {  	[hbm4b:s5+s2] =	stream.indirect_vreg.scatter [tilespmem:s31], [sflag:$0x1], $0x80, v3, vm0, $0xb8;
	[tilespmem:$0xC080] =	vst v63  }
0x68: {  	_ =	swait.ge [sflag:s1], $0xC000  }
0x69: {  	[sflag:s1] =	ssyncset.done $0x0  }
0x6a: {  	s6 =	sadd.s32 $0xFFFFFFFF, s6;
	[sflag:s1] =	ssyncadd.s32 $0xFFFF4000  }
0x6b: {  	_ =	sfence.sel $0x180000  }
0x6c: {  	[bflag:$0x0] =	sbarrier.arrive $0xFFFF  }
0x6d: {  	_ =	strace $0x90000047  }
0x6e: {  	s0 =	stileid.u32;
	[bflag:$0x2] =	sbarrier.arrive $0xFFFF  }
0x6f: {  	p0 =	sne.s32 s0, $0x0;
	s0 =	rddreg [dreg:$0x2]  }
0x70: {  	s0 =	sadd.s32 @!p0 $0x100000, s0  }
0x71: {  	[sflag:s0] =	ssyncadd.tile.s32 @!p0 $0x1;
	_ =	shalt  }
.Lfunc_end2:
_tile_overlayer_lowered:
.L_overlay_start_2:
0x72: {  	(tag) =	ssettag $0x2  }
0x73: {  	s0 =	rddreg [dreg:$0x0];
	s2 =	stileid.u32  }
0x74: {  	s1 =	rddreg [dreg:$0x1];
	p0 =	sne.s32 s2, $0x0  }
0x75: {  	s3 =	rddreg [dreg:$0x2];
	[bflag:$0x3] =	sbarrier.arrive $0xFFFF;
	s2 =	simm.s32 @!p0 $0x1C02  }
0x76: {  	[timem:s3], [sflag:s2] =	dma.local @!p0 [hbm:s0], s1  }
0x77: {  	s0 =	simm.s32 @!p0 $0x2  }
0x78: {  	_ =	swait.ge @!p0 [sflag:s0], s1  }
0x79: {  	s1 =	ssub.s32 @!p0 $0x0, s1;
	[sflag:s0] =	ssyncset.done @!p0 $0x0  }
0x7a: {  	[sflag:s0] =	ssyncadd.s32 @!p0 s1  }
0x7b: {  	[bflag:$0x3] =	sbarrier.arrive $0xFFFF  }
0x7c: {  	_ =	shalt  }

// kernel: kernel.9.cloned.1.call-start
scs
__scs_entry_jumppad:
0x0: {  	(pc) =	sbr.rel $0x88, $3  }
0x1: {  	(tag) =	ssettag $0x0;
	lr =	simm.s32 $0x1  }
0x2: {  	[smem:$0x3F9A] =	sst lr;
	_ =	strace $0xD0000000  }
0x3: {  	_ = 	snop  }
0x4: {  	_ = 	snop  }
0x5: {  	_ = 	snop  }
0x6: {  	_ = 	snop  }
0x7: {  	_ = 	snop  }
__scs_overlays_trampoline_lowered:
0x8: {  	[smem:$0x3FA9] =	sst s0  }
0x9: {  	[smem:$0x3FAA] =	sst s1  }
0xa: {  	[smem:$0x3FAB] =	sst s2  }
0xb: {  	[smem:$0x3FAC] =	sst s3  }
0xc: {  	[smem:$0x3FAD] =	sst s4  }
0xd: {  	[smem:$0x3FAE] =	sst s5  }
0xe: {  	[smem:$0x3FAF] =	sst s6  }
0xf: {  	[smem:$0x3FB0] =	sst s7  }
0x10: {  	[smem:$0x3FB1] =	sst s8  }
0x11: {  	[smem:$0x3FB2] =	sst s9;
	s0 =	simm.s32 @!p0 $0x0  }
0x12: {  	s1 =	sld [smem:$0x3F98];
	s0 =	simm.s32 @p0 $0x1  }
0x13: {  	[smem:$0x3FB3] =	sst s0;
	s0 =	simm.s32 @!p1 $0x0  }
0x14: {  	s2 =	sld [smem:$0x3F97];
	s0 =	simm.s32 @p1 $0x1  }
0x15: {  	[smem:$0x3FB4] =	sst s0;
	s0 =	simm.s32 @!p2 $0x0  }
0x16: {  	s3 =	sld [smem:$0x3FDB];
	s0 =	simm.s32 @p2 $0x1  }
0x17: {  	s4 =	simm.s32 $0x1BF5;
	[smem:$0x3FB6] =	sst s0  }
0x18: {  	s0 =	sld [smem:$0x3F99];
	_ =	swait.ge [sflag:s4], $0x0  }
0x19: {  	s7 =	sld [smem:$0x3F9A]  }
0x1a: {  	s8 =	sadd.s32 $0xFFFFE003, lr  }
0x1b: {  	s9 =	sadd.s32 $0xFFFFFEF7, lr;
	s5 =	simm.s32 $0xFFFFFFFF;
	p2 =	slt.u32 s8, $0xFFFFF086  }
0x1c: {  	p1 =	slt.u32 s9, $0xF7A;
	s5 =	simm.s32 @!p2 $0x0  }
0x1d: {  	s5 =	simm.s32 @p1 $0x1;
	p0 =	seq.s32 s7, s2  }
0x1e: {  	s7 =	smul.u32 @!p0 $0xF7A, s2;
	p2 =	seq.s32 @!p0 s5, $0x0  }
0x1f: {  	s9 =	smul.u32 $0xF7A, s1;
	s8 =	simm.s32 @!p0 $0x1BF5;
	p2 =	por !p2, p0  }
0x20: {  	[sflag:s8] =	ssyncset.s32 @!p0 $0xFFFFF086;
	s6 =	sadd.s32 @!p0 s3, s7;
	s7 =	simm.s32 @!p0 $0x108  }
0x21: {  	s3 =	sadd.s32 s3, s9;
	s6 =	sadd.s32 @!p0 $0x88, s6;
	s7 =	simm.s32 @p2 $0x1082  }
0x22: {  	[simem:s7], [sflag:s8] =	dma.local @!p0 [hbm:s6], $0xF7A  }
0x23: {  	s9 =	sor.u32 $0xD0000000, s2;
	s6 =	simm.s32 $0x108;
	_ =	swait.ge @!p0 [sflag:s8], $0x0  }
0x24: {  	s3 =	sadd.s32 $0x88, s3;
	s6 =	simm.s32 @!p1 $0x1082;
	[sflag:s4] =	ssyncset.s32 $0xFFFFF086  }
0x25: {  	[simem:s6], [sflag:s4] =	dma.local [hbm:s3], $0xF7A  }
0x26: {  	[smem:$0x3F9A] =	sst s1;
	(tag) =	ssettag s2;
	_ =	strace s9  }
0x27: {  	s1 =	sld [smem:$0x3FAA]  }
0x28: {  	s2 =	sld [smem:$0x3FAB]  }
0x29: {  	s4 =	sld [smem:$0x3FAD]  }
0x2a: {  	p0 =	seq.s32 s5, $0x0;
	s5 =	sld [smem:$0x3FAE]  }
0x2b: {  	s6 =	sld [smem:$0x3FAF]  }
0x2c: {  	s7 =	sld [smem:$0x3FB0]  }
0x2d: {  	s3 =	simm.s32 $0x108;
	s8 =	sld [smem:$0x3FB1]  }
0x2e: {  	s3 =	simm.s32 @!p0 $0x1082;
	s9 =	sld [smem:$0x3FB2]  }
0x2f: {  	lr =	sadd.s32 s0, s3;
	s0 =	sld [smem:$0x3FA9]  }
0x30: {  	s3 =	sld [smem:$0x3FAC]  }
0x31: {  	[smem:$0x3FB5] =	sst s10  }
0x32: {  	s10 =	sld [smem:$0x3FB3];
	_ =	sdelay $0x3  }
0x33: {  	p0 =	seq.s32 s10, $0x1;
	s10 =	sld [smem:$0x3FB5];
	_ =	sdelay $0x3  }
0x34: {  	[smem:$0x3FB5] =	sst s10  }
0x35: {  	s10 =	sld [smem:$0x3FB4];
	_ =	sdelay $0x3  }
0x36: {  	p1 =	seq.s32 s10, $0x1;
	s10 =	sld [smem:$0x3FB5];
	_ =	sdelay $0x3  }
0x37: {  	[smem:$0x3FB5] =	sst s10  }
0x38: {  	s10 =	sld [smem:$0x3FB6]  }
0x39: {  	_ = 	snop;
	(pc) =	sbr.ind lr, $3  }
0x3a: {  	_ = 	snop  }
0x3b: {  	_ = 	snop  }
0x3c: {  	p2 =	seq.s32 s10, $0x1;
	s10 =	sld [smem:$0x3FB5]  }
0x3d: {  	_ =	shalt  }
0x3e: {  	_ =	shalt  }
0x3f: {  	_ =	shalt  }
0x40: {  	_ =	shalt  }
0x41: {  	_ =	shalt  }
0x42: {  	_ =	shalt  }
0x43: {  	_ =	shalt  }
0x44: {  	_ =	shalt  }
0x45: {  	_ =	shalt  }
0x46: {  	_ =	shalt  }
0x47: {  	_ =	shalt  }
0x48: {  	_ =	shalt  }
0x49: {  	_ =	shalt  }
0x4a: {  	_ =	shalt  }
0x4b: {  	_ =	shalt  }
0x4c: {  	_ =	shalt  }
0x4d: {  	_ =	shalt  }
0x4e: {  	_ =	shalt  }
0x4f: {  	_ =	shalt  }
0x50: {  	_ =	shalt  }
0x51: {  	_ =	shalt  }
0x52: {  	_ =	shalt  }
0x53: {  	_ =	shalt  }
0x54: {  	_ =	shalt  }
0x55: {  	_ =	shalt  }
0x56: {  	_ =	shalt  }
0x57: {  	_ =	shalt  }
0x58: {  	_ =	shalt  }
0x59: {  	_ =	shalt  }
0x5a: {  	_ =	shalt  }
0x5b: {  	_ =	shalt  }
0x5c: {  	_ =	shalt  }
0x5d: {  	_ =	shalt  }
0x5e: {  	_ =	shalt  }
0x5f: {  	_ =	shalt  }
0x60: {  	_ =	shalt  }
0x61: {  	_ =	shalt  }
0x62: {  	_ =	shalt  }
0x63: {  	_ =	shalt  }
0x64: {  	_ =	shalt  }
0x65: {  	_ =	shalt  }
0x66: {  	_ =	shalt  }
0x67: {  	_ =	shalt  }
0x68: {  	_ =	shalt  }
0x69: {  	_ =	shalt  }
0x6a: {  	_ =	shalt  }
0x6b: {  	_ =	shalt  }
0x6c: {  	_ =	shalt  }
0x6d: {  	_ =	shalt  }
0x6e: {  	_ =	shalt  }
0x6f: {  	_ =	shalt  }
0x70: {  	_ =	shalt  }
0x71: {  	_ =	shalt  }
0x72: {  	_ =	shalt  }
0x73: {  	_ =	shalt  }
0x74: {  	_ =	shalt  }
0x75: {  	_ =	shalt  }
0x76: {  	_ =	shalt  }
0x77: {  	_ =	shalt  }
0x78: {  	_ =	shalt  }
0x79: {  	_ =	shalt  }
0x7a: {  	_ =	shalt  }
0x7b: {  	_ =	shalt  }
0x7c: {  	_ =	shalt  }
0x7d: {  	_ =	shalt  }
0x7e: {  	_ =	shalt  }
0x7f: {  	_ =	shalt  }
0x80: {  	_ =	shalt  }
0x81: {  	_ =	shalt  }
0x82: {  	_ =	shalt  }
0x83: {  	_ =	shalt  }
0x84: {  	_ =	shalt  }
0x85: {  	_ =	shalt  }
0x86: {  	_ =	shalt  }
0x87: {  	_ =	shalt  }
.Lfunc_end0:
.L_simem_size_0:
called_computation.1_lowered:
.L_overlay_start_0:
0x88: {  	s2 =	sld [smem:$0x3FD9]  }
0x89: {  	s3 =	sld [smem:$0x3FFE];
	_ =	sdelay $0x1  }
0x8a: {  	s1 =	srdreg.scid  }
0x8b: {  	s0 =	sand.u32 $0x1, s1  }
0x8c: {  	s16 =	sshll.u32 s0, $0xA;
	s2 =	sadd.s32 s3, s2  }
0x8d: {  	s2 =	sadd.s32 s2, s16  }
0x8e: {  	[smem:$0x3FC1] =	sst s2  }
0x8f: {  	_ = 	snop  }
0x90: {  	(tm) =	ssettm $0x1  }
0x91: {  	s17 =	sld [smem:$0x3FFB];
	_ =	sdelay $0x3  }
0x92: {  	_ =	strace s17  }
0x93: {  	s2 =	sld [smem:$0x3FFC];
	_ =	sdelay $0x3  }
0x94: {  	_ =	strace s2  }
0x95: {  	s2 =	sld [smem:$0x3FFD];
	_ =	sdelay $0x3  }
0x96: {  	_ =	strace s2  }
0x97: {  	_ =	strace $0x8FFFFFFF  }
0x98: {  	s18 =	sld [smem:$0x3FDB];
	_ =	sdelay $0x1  }
0x99: {  	s19 =	simm.s32 $_scs_section_size  }
0x9a: {  	s4 =	simm.s32 $_size__tile_overlayer_lowered;
	s5 =	simm.s32 $_tile_overlayer_lowered  }
0x9b: {  	s22 =	simm.s32 $0x1BFF;
	s21 =	sshll.u32 s5, $0x1;
	s2 =	sadd.s32 s19, s18  }
0x9c: {  	s6 =	simm.s32 $0x0;
	s20 =	sshll.u32 s4, $0x1;
	s4 =	sadd.s32 s21, s2  }
0x9d: {  	[timem:s6], [sflag:s22] =	dma.local [hbm:s4], s20  }
0x9e: {  	_ =	swait.ge [sflag:s22], s20  }
0x9f: {  	s3 =	ssub.s32 $0x0, s20;
	[sflag:s22] =	ssyncset.done $0x0  }
0xa0: {  	[sflag:s22] =	ssyncadd.s32 s3;
	_ =	sdelay $0x1  }
0xa1: {  	s23 =	simm.s32 $0x1B8B  }
0xa2: {  	_ =	swait.ge [sflag:s23], $0x1  }
0xa3: {  	[sflag:s23] =	ssyncset.done $0x0  }
0xa4: {  	s25 =	simm.s32 $0x1B8E;
	s24 =	sld [smem:$0x3FFE];
	[sflag:s23] =	ssyncadd.s32 $0xFFFFFFFF  }
0xa5: {  	s26 =	simm.s32 $execute0_lowered;
	[smem:$0x3FD2] =	sst s25  }
0xa6: {  	s4 =	sshll.u32 s26, $0x1;
	_ =	strace $0x80000049;
	[dreg:$0x1] =	wrdreg $0xFFFFFFFF  }
0xa7: {  	s28 =	simm.s32 $_size_execute0_lowered;
	s2 =	sadd.s32 s2, s4;
	[dreg:$0x0] =	wrdreg $0x0  }
0xa8: {  	s4 =	sshll.u32 s28, $0x1;
	[dreg:$0x2] =	wrdreg s2  }
0xa9: {  	[dreg:$0x3] =	wrdreg s4  }
0xaa: {  	[dreg:$0x4] =	wrdreg $0xC0  }
0xab: {  	_ =	task [dreg:s6], $0x5FFFF  }
0xac: {  	[dreg:$0x1] =	wrdreg $0xFFFFFFFF  }
0xad: {  	[dreg:$0x0] =	wrdreg $0x60  }
0xae: {  	[dreg:$0x2] =	wrdreg s24  }
0xaf: {  	[dreg:$0x3] =	wrdreg $0x9  }
0xb0: {  	_ =	task.clear_ibuf [dreg:s6], $0x4FFFF;
	_ =	strace $0x90000049  }
0xb1: {  	s29 =	simm.s32 $0x9;
	_ =	strace $0x8000004B  }
0xb2: {  	_ =	swait.ge [sflag:s29], $0x1  }
0xb3: {  	[sflag:s29] =	ssyncadd.s32 $0xFFFFFFFF  }
0xb4: {  	_ =	strace $0x9000004B  }
0xb5: {  	_ =	sfence  }
0xb6: {  	s30 =	sld [smem:$0x0];
	_ =	sdelay $0x2  }
0xb7: {  	s31 =	sshll.u32 s1, $0xD;
	s1 =	sshrl.u32 s1, $0x2  }
0xb8: {  	s3 =	sand.u32 $0x4000, s31;
	s1 =	sadd.s32 s1, s30  }
0xb9: {  	s0 =	sor.u32 s3, s0;
	s1 =	sshll.u32 s1, $0x11  }
0xba: {  	s0 =	sor.u32 s1, s0  }
0xbb: {  	s0 =	sadd.s32 $0x8F2B, s0  }
0xbc: {  	[sflag:s0] =	ssyncadd.remote.s32 $0x1  }
0xbd: {  	_ =	sfence.sel $0xFFFF  }
0xbe: {  	[dreg:$0x0] =	wrdreg $0xFFFFFFFF;
	(pc) =	sbr.abs _section_cstart, $3  }
0xbf: {  	[dreg:$0x1] =	wrdreg $0xFFFFFFFF  }
0xc0: {  	_ =	task.clear_ibuf [dreg:s6], $0x2FFFF;
	_ =	strace $0x9FFFFFFF  }
0xc1: {  	(tm) =	ssettm $0x7FFFFFFF  }
tec
execute0_lowered:
.L_overlay_start_1:
0x0: {  	(tag) =	ssettag $0x1  }
0x1: {  	s0 =	rddreg [dreg:$0x0]  }
0x2: {  	s2 =	srdreg.scid;
	s1 =	stileid.u32  }
0x3: {  	s8 =	simm.s32 $0x80;
	s26 =	simm.s32 $0x880;
	s9 =	simm.s32 $0x1080  }
0x4: {  	s10 =	simm.s32 $0x1880;
	s11 =	simm.s32 $0x2080;
	s12 =	simm.s32 $0x2880  }
0x5: {  	s13 =	simm.s32 $0x3080;
	s14 =	simm.s32 $0x3880;
	s15 =	simm.s32 $0x4080  }
0x6: {  	s16 =	simm.s32 $0x4880;
	s17 =	simm.s32 $0x5080;
	s18 =	simm.s32 $0x5880  }
0x7: {  	s19 =	simm.s32 $0x6080;
	s20 =	simm.s32 $0x6880;
	s21 =	simm.s32 $0x7080  }
0x8: {  	s22 =	simm.s32 $0x7880;
	s23 =	simm.s32 $0x8080;
	s24 =	simm.s32 $0x8880  }
0x9: {  	s28 =	simm.s32 $0xA080;
	s29 =	simm.s32 $0xA880;
	s30 =	simm.s32 $0xB080  }
0xa: {  	s31 =	simm.s32 $0xB880;
	s3 =	sand.u32 $0x1, s2;
	s2 =	simm.s32 $0x0  }
0xb: {  	s4 =	sshll.u32 s1, $0x4;
	s5 =	sshll.u32 s3, $0x3;
	[smem:$0x7FF] =	sst s2  }
0xc: {  	s6 =	ssub.s32 $0x2, s3;
	s3 =	sadd.s32 $0x600, s0;
	s4 =	sor.u32 s5, s4  }
0xd: {  	_ =	strace $0x8000004A;
	s7 =	sshrl.u32 s6, $0x1;
	[dreg:$0x4] =	wrdreg s26  }
0xe: {  	s26 =	simm.s32 $0x9880;
	s5 =	smul.u32 $0x300, s4;
	s4 =	sadd.s32 s4, s0  }
0xf: {  	s6 =	ssub.s32 s6, s7;
	s7 =	simm.s32 $0x2;
	s4 =	sadd.s32 $0x400, s4  }
0x10: {  	v2 =	vlaneseq.u32;
	s6 =	smax.u32 s6, $0x1;
	s5 =	sadd.s32 s5, s0;
	[dreg:$0x2] =	wrdreg s4  }
0x11: {  	vm0 =	vmmov $0xffff;
	v1 =	vshrl.u32 v2, $0x3;
	s4 =	sadd.s32 $0x700, s0;
	s25 =	sadd.s32 $0x90600, s5;
	s5 =	sadd.s32 $0x800, s0  }
0x12: {  	v0 =	vand.u32 $0x7, v2;
	v2 =	vor.u32 $0x8, v2;
	v1 =	vmul.u32 $0x8, v1;
	s0 =	simm.s32 $0x1;
	[dreg:$0x3] =	wrdreg s25;
	s25 =	simm.s32 $0x9080  }
.LBB2_1:
0x13: {  	s1 =	rddreg [dreg:$0x2]  }
0x14: {  	[tilespmem:s2], [sflag:$0x2] =	stream.linear.gather [hbm4b:s1+s2], $0x40, $0x38;
	[tilespmem:$0xC080] =	vst v63  }
0x15: {  	_ =	swait.ge [sflag:s7], $0x40  }
0x16: {  	[sflag:s7] =	ssyncset.done $0x0  }
0x17: {  	[sflag:s7] =	ssyncadd.s32 $0xFFFFFFC0  }
0x18: {  	v3 =	vld [tilespmem:$0x0];
	_ =	sdelay $0x4  }
0x19: {  	v4 =	vshrl.u32 v3, $0x3  }
0x1a: {  	v4 =	vmul.u32 $0x30, v4  }
0x1b: {  	v3 =	vand.u32 $0x7, v3  }
0x1c: {  	v3 =	vor.u32 v3, v4  }
0x1d: {  	v4 =	vperm.xlane v3, v0;
	_ =	sdelay $0x1  }
0x1e: {  	v4 =	vadd.s32 v1, v4;
	_ =	sdelay $0x3  }
0x1f: {  	v3 =	vperm.xlane v3, v2  }
0x20: {  	[tilespmem:s8], [sflag:$0x1] =	stream.indirect_vreg.gather [hbm4b:s3+s2], $0x80, v4, vm0, $0xb8;
	[tilespmem:$0xC080] =	vst v63  }
0x21: {  	s1 =	rddreg [dreg:$0x4];
	v3 =	vadd.s32 v1, v3  }
0x22: {  	[tilespmem:s1], [sflag:$0x1] =	stream.indirect_vreg.gather [hbm4b:s4+s2], $0x80, v4, vm0, $0xb8;
	[tilespmem:$0xC080] =	vst v63  }
0x23: {  	_ = 	snop  }
0x24: {  	[tilespmem:s9], [sflag:$0x1] =	stream.indirect_vreg.gather [hbm4b:s5+s2], $0x80, v4, vm0, $0xb8;
	[tilespmem:$0xC080] =	vst v63  }
0x25: {  	_ = 	snop  }
0x26: {  	[tilespmem:s10], [sflag:$0x1] =	stream.indirect_vreg.gather [hbm4b:s3+s2], $0x80, v3, vm0, $0xb8;
	[tilespmem:$0xC080] =	vst v63  }
0x27: {  	_ = 	snop  }
0x28: {  	[tilespmem:s11], [sflag:$0x1] =	stream.indirect_vreg.gather [hbm4b:s4+s2], $0x80, v3, vm0, $0xb8;
	[tilespmem:$0xC080] =	vst v63  }
0x29: {  	_ = 	snop  }
0x2a: {  	[tilespmem:s12], [sflag:$0x1] =	stream.indirect_vreg.gather [hbm4b:s5+s2], $0x80, v3, vm0, $0xb8;
	[tilespmem:$0xC080] =	vst v63  }
0x2b: {  	v3 =	vld [tilespmem:$0x10];
	_ =	sdelay $0x4  }
0x2c: {  	v61 =	vshrl.u32 v3, $0x3  }
0x2d: {  	v4 =	vmul.u32 $0x30, v61  }
0x2e: {  	v3 =	vand.u32 $0x7, v3  }
0x2f: {  	v3 =	vor.u32 v3, v4  }
0x30: {  	v4 =	vperm.xlane v3, v0;
	_ =	sdelay $0x1  }
0x31: {  	v4 =	vadd.s32 v1, v4;
	_ =	sdelay $0x3  }
0x32: {  	v3 =	vperm.xlane v3, v2  }
0x33: {  	[tilespmem:s13], [sflag:$0x1] =	stream.indirect_vreg.gather [hbm4b:s3+s2], $0x80, v4, vm0, $0xb8;
	[tilespmem:$0xC080] =	vst v63  }
0x34: {  	v3 =	vadd.s32 v1, v3  }
0x35: {  	[tilespmem:s14], [sflag:$0x1] =	stream.indirect_vreg.gather [hbm4b:s4+s2], $0x80, v4, vm0, $0xb8;
	[tilespmem:$0xC080] =	vst v63  }
0x36: {  	_ = 	snop  }
0x37: {  	[tilespmem:s15], [sflag:$0x1] =	stream.indirect_vreg.gather [hbm4b:s5+s2], $0x80, v4, vm0, $0xb8;
	[tilespmem:$0xC080] =	vst v63  }
0x38: {  	_ = 	snop  }
0x39: {  	[tilespmem:s16], [sflag:$0x1] =	stream.indirect_vreg.gather [hbm4b:s3+s2], $0x80, v3, vm0, $0xb8;
	[tilespmem:$0xC080] =	vst v63  }
0x3a: {  	_ = 	snop  }
0x3b: {  	[tilespmem:s17], [sflag:$0x1] =	stream.indirect_vreg.gather [hbm4b:s4+s2], $0x80, v3, vm0, $0xb8;
	[tilespmem:$0xC080] =	vst v63  }
0x3c: {  	_ = 	snop  }
0x3d: {  	[tilespmem:s18], [sflag:$0x1] =	stream.indirect_vreg.gather [hbm4b:s5+s2], $0x80, v3, vm0, $0xb8;
	[tilespmem:$0xC080] =	vst v63  }
0x3e: {  	v3 =	vld [tilespmem:$0x20];
	_ =	sdelay $0x4  }
0x3f: {  	v62 =	vshrl.u32 v3, $0x3  }
0x40: {  	v4 =	vmul.u32 $0x30, v62  }
0x41: {  	v3 =	vand.u32 $0x7, v3  }
0x42: {  	v3 =	vor.u32 v3, v4  }
0x43: {  	v4 =	vperm.xlane v3, v0;
	_ =	sdelay $0x1  }
0x44: {  	v4 =	vadd.s32 v1, v4;
	_ =	sdelay $0x3  }
0x45: {  	v3 =	vperm.xlane v3, v2  }
0x46: {  	[tilespmem:s19], [sflag:$0x1] =	stream.indirect_vreg.gather [hbm4b:s3+s2], $0x80, v4, vm0, $0xb8;
	[tilespmem:$0xC080] =	vst v63  }
0x47: {  	v3 =	vadd.s32 v1, v3  }
0x48: {  	[tilespmem:s20], [sflag:$0x1] =	stream.indirect_vreg.gather [hbm4b:s4+s2], $0x80, v4, vm0, $0xb8;
	[tilespmem:$0xC080] =	vst v63  }
0x49: {  	_ = 	snop  }
0x4a: {  	[tilespmem:s21], [sflag:$0x1] =	stream.indirect_vreg.gather [hbm4b:s5+s2], $0x80, v4, vm0, $0xb8;
	[tilespmem:$0xC080] =	vst v63  }
0x4b: {  	_ = 	snop  }
0x4c: {  	[tilespmem:s22], [sflag:$0x1] =	stream.indirect_vreg.gather [hbm4b:s3+s2], $0x80, v3, vm0, $0xb8;
	[tilespmem:$0xC080] =	vst v63  }
0x4d: {  	_ = 	snop  }
0x4e: {  	[tilespmem:s23], [sflag:$0x1] =	stream.indirect_vreg.gather [hbm4b:s4+s2], $0x80, v3, vm0, $0xb8;
	[tilespmem:$0xC080] =	vst v63  }
0x4f: {  	_ = 	snop  }
0x50: {  	[tilespmem:s24], [sflag:$0x1] =	stream.indirect_vreg.gather [hbm4b:s5+s2], $0x80, v3, vm0, $0xb8;
	[tilespmem:$0xC080] =	vst v63  }
0x51: {  	v3 =	vld [tilespmem:$0x30];
	_ =	sdelay $0x4  }
0x52: {  	v63 =	vshrl.u32 v3, $0x3  }
0x53: {  	v4 =	vmul.u32 $0x30, v63  }
0x54: {  	v3 =	vand.u32 $0x7, v3  }
0x55: {  	v3 =	vor.u32 v3, v4  }
0x56: {  	v4 =	vperm.xlane v3, v0;
	_ =	sdelay $0x1  }
0x57: {  	v4 =	vadd.s32 v1, v4;
	_ =	sdelay $0x3  }
0x58: {  	v3 =	vperm.xlane v3, v2  }
0x59: {  	[tilespmem:s25], [sflag:$0x1] =	stream.indirect_vreg.gather [hbm4b:s3+s2], $0x80, v4, vm0, $0xb8;
	[tilespmem:$0xC080] =	vst v63  }
0x5a: {  	v3 =	vadd.s32 v1, v3  }
0x5b: {  	[tilespmem:s26], [sflag:$0x1] =	stream.indirect_vreg.gather [hbm4b:s4+s2], $0x80, v4, vm0, $0xb8;
	[tilespmem:$0xC080] =	vst v63  }
0x5c: {  	_ = 	snop  }
0x5d: {  	[tilespmem:s28], [sflag:$0x1] =	stream.indirect_vreg.gather [hbm4b:s5+s2], $0x80, v4, vm0, $0xb8;
	[tilespmem:$0xC080] =	vst v63  }
0x5e: {  	_ = 	snop  }
0x5f: {  	[tilespmem:s29], [sflag:$0x1] =	stream.indirect_vreg.gather [hbm4b:s3+s2], $0x80, v3, vm0, $0xb8;
	[tilespmem:$0xC080] =	vst v63  }
0x60: {  	_ = 	snop  }
0x61: {  	[tilespmem:s30], [sflag:$0x1] =	stream.indirect_vreg.gather [hbm4b:s4+s2], $0x80, v3, vm0, $0xb8;
	[tilespmem:$0xC080] =	vst v63  }
0x62: {  	_ = 	snop  }
0x63: {  	[tilespmem:s31], [sflag:$0x1] =	stream.indirect_vreg.gather [hbm4b:s5+s2], $0x80, v3, vm0, $0xb8;
	[tilespmem:$0xC080] =	vst v63  }
0x64: {  	_ =	swait.ge [sflag:s0], $0xC000  }
0x65: {  	p0 =	sne.s32 s6, $0x1;
	[sflag:s0] =	ssyncset.done $0x0  }
.Ltmp0:
0x66: {  	s1 =	rddreg [dreg:$0x3];
	[sflag:s0] =	ssyncadd.s32 $0xFFFF4000;
	(pc) =	sbr.rel @p0 .LBB2_1-.Ltmp0, $4  }
0x67: {  	[hbm4b:s1+s2] =	stream.linear.scatter [tilespmem:s8], [sflag:$0x2], $0xC000, $0x38;
	[tilespmem:$0xC080] =	vst v63  }
0x68: {  	_ =	swait.ge [sflag:s7], $0xC000  }
0x69: {  	[sflag:s7] =	ssyncset.done $0x0  }
0x6a: {  	s6 =	sadd.s32 $0xFFFFFFFF, s6;
	[sflag:s7] =	ssyncadd.s32 $0xFFFF4000  }
0x6b: {  	_ =	sfence.sel $0x180000  }
0x6c: {  	[bflag:$0x0] =	sbarrier.arrive $0xFFFF  }
0x6d: {  	_ =	strace $0x9000004A  }
0x6e: {  	s0 =	stileid.u32;
	[bflag:$0x2] =	sbarrier.arrive $0xFFFF  }
0x6f: {  	p0 =	sne.s32 s0, $0x0;
	s0 =	rddreg [dreg:$0x1]  }
0x70: {  	s0 =	sadd.s32 @!p0 $0x100000, s0  }
0x71: {  	[sflag:s0] =	ssyncadd.tile.s32 @!p0 $0x1;
	_ =	shalt  }
.Lfunc_end2:
_tile_overlayer_lowered:
.L_overlay_start_2:
0x72: {  	(tag) =	ssettag $0x2  }
0x73: {  	s0 =	rddreg [dreg:$0x0];
	s2 =	stileid.u32  }
0x74: {  	s1 =	rddreg [dreg:$0x1];
	p0 =	sne.s32 s2, $0x0  }
0x75: {  	s3 =	rddreg [dreg:$0x2];
	[bflag:$0x3] =	sbarrier.arrive $0xFFFF;
	s2 =	simm.s32 @!p0 $0x1C02  }
0x76: {  	[timem:s3], [sflag:s2] =	dma.local @!p0 [hbm:s0], s1  }
0x77: {  	s0 =	simm.s32 @!p0 $0x2  }
0x78: {  	_ =	swait.ge @!p0 [sflag:s0], s1  }
0x79: {  	s1 =	ssub.s32 @!p0 $0x0, s1;
	[sflag:s0] =	ssyncset.done @!p0 $0x0  }
0x7a: {  	[sflag:s0] =	ssyncadd.s32 @!p0 s1  }
0x7b: {  	[bflag:$0x3] =	sbarrier.arrive $0xFFFF  }
0x7c: {  	_ =	shalt  }

</sc_bundles>
